<compile_context>
chip_gen: v7x
topology: tpu7x:2x2x1
jax: 0.10.2.dev20260603
libtpu: 0.0.44.dev20260713+nightly
codegen_flags: <defaults>
</compile_context>

<pallas_src>
import functools
import math

import jax
import jax.numpy as jnp
from jax import lax
from jax.experimental import pallas as pl
from jax.experimental.pallas import tpu as pltpu
from jax.experimental.pallas import tpu_sc as plsc

_SMOOTHING = 0.1
_CONFIDENCE = 1.0 - _SMOOTHING

_ROW_BLOCK = 256


def _tc_rowsum_body(x_ref, m_ref, out_ref):
    rs = jnp.sum(x_ref[...], axis=1)
    m = m_ref[...]
    out_ref[0, 0, 0] = jnp.sum(rs * m)
    out_ref[0, 0, 1] = jnp.sum(m)


def _tc_masked_rowsum(x, m):
    n, v = x.shape
    grid = n // _ROW_BLOCK
    return pl.pallas_call(
        _tc_rowsum_body,
        grid=(grid,),
        in_specs=[
            pl.BlockSpec((_ROW_BLOCK, v), lambda i: (i, 0)),
            pl.BlockSpec((_ROW_BLOCK,), lambda i: (i,)),
        ],
        out_specs=pl.BlockSpec(
            (1, 1, 2), lambda i: (i, 0, 0), memory_space=pltpu.SMEM),
        out_shape=jax.ShapeDtypeStruct((grid, 1, 2), jnp.float32),
        compiler_params=pltpu.CompilerParams(
            dimension_semantics=("parallel",)),
    )(x, m)


def _sc_masked_gather_partials(x_flat, tgt, m, v):
    n = tgt.shape[0]
    info = plsc.get_sparse_core_info()
    num_cores, num_subcores, num_lanes = (
        info.num_cores, info.num_subcores, info.num_lanes)
    nw = num_cores * num_subcores
    bpw = n // nw
    chunk = 128
    nchunks = bpw // chunk
    mesh = plsc.VectorSubcoreMesh(core_axis_name="c", subcore_axis_name="s")

    @functools.partial(
        pl.kernel,
        mesh=mesh,
        out_type=jax.ShapeDtypeStruct((nw, num_lanes), jnp.float32),
        scratch_types=[
            pltpu.VMEM((chunk,), jnp.int32),
            pltpu.VMEM((chunk,), jnp.int32),
            pltpu.VMEM((chunk,), jnp.float32),
            pltpu.VMEM((chunk,), jnp.float32),
            pltpu.VMEM((num_lanes,), jnp.float32),
            pltpu.SemaphoreType.DMA,
        ],
    )
    def k(x_hbm, tgt_hbm, m_hbm, out_hbm, tgt_v, idx_v, vals_v, m_v, acc_v,
          sem):
        wid = lax.axis_index("s") * num_cores + lax.axis_index("c")
        base = wid * bpw
        lanes = lax.iota(jnp.int32, num_lanes)
        acc = jnp.zeros((num_lanes,), jnp.float32)
        for c in range(nchunks):
            off = base + c * chunk
            pltpu.sync_copy(tgt_hbm.at[pl.ds(off, chunk)], tgt_v)
            pltpu.sync_copy(m_hbm.at[pl.ds(off, chunk)], m_v)
            for j in range(chunk // num_lanes):
                sl = pl.ds(j * num_lanes, num_lanes)
                tv = tgt_v[sl]
                rv = jnp.full((num_lanes,), off + j * num_lanes,
                              jnp.int32) + lanes
                idx_v[sl] = ((rv >> 3) * (8 * v) + (tv >> 7) * 1024
                             + (rv & 7) * 128 + (tv & 127))
            pltpu.async_copy(x_hbm.at[idx_v], vals_v, sem).wait()
            for j in range(chunk // num_lanes):
                sl = pl.ds(j * num_lanes, num_lanes)
                acc = acc + vals_v[sl] * m_v[sl]
        acc_v[...] = acc
        pltpu.sync_copy(acc_v, out_hbm.at[wid])

    return k(x_flat, tgt, m)


def kernel(input, target, mask):
    b, t, v = input.shape
    n = b * t
    x = input.reshape(n, v)
    m = mask.reshape(n).astype(jnp.float32)
    tgt = target.reshape(n).astype(jnp.int32)

    xt = input.reshape(n // 8, 8, v // 128, 128)
    xt = xt.transpose(0, 2, 1, 3).reshape(-1)

    tc_out = _tc_masked_rowsum(x, m)
    sc_partials = _sc_masked_gather_partials(xt, tgt, m, v)

    a = jnp.sum(tc_out[:, 0, 0])
    msum = jnp.sum(tc_out[:, 0, 1])
    tdot = jnp.sum(sc_partials)

    eps = _SMOOTHING / (v - 1)
    const = (v - 1) * eps * math.log(eps) + _CONFIDENCE * math.log(_CONFIDENCE)
    loss = (const * msum - eps * a - (_CONFIDENCE - eps) * tdot) / msum
    return loss

# --- scband reference (transcript-rebuilt; emitter-appended) ---
"""Pipeline reference for scband-label-smoothing-979252544196 (READ-ONLY COPY).

The authoritative reference and input builder live on the scoring server;
editing this copy changes nothing except your own understanding.
"""

import jax, jax.numpy as jnp
import numpy as np

SMOOTHING = 0.1
CONFIDENCE = 1.0 - SMOOTHING

def setup_inputs(seed: int = 0) -> dict:
    key = jax.random.key(seed)
    k1, k2 = jax.random.split(key)
    B, T, V = 4, 2048, 8192
    inp = jax.random.normal(k1, (B, T, V), dtype=jnp.float32)
    target = jax.random.randint(k2, (B, T), 0, V, dtype=jnp.int64)
    mask = jnp.ones((B, T), dtype=jnp.float32)
    return {"input": inp, "target": target, "mask": mask}

def reference(input, target, mask):
    # input: [B, T, V] log-probs; target: [B, T] int; mask: [B, T]
    T = input.shape[1]
    V = input.shape[-1]
    tgt = target[:, :T]
    m = mask[:, :T]
    x = input.reshape(-1, V)
    tgt = tgt.reshape(-1)
    m = m.reshape(-1).astype(x.dtype)
    size = V
    # true_dist: filled with smoothing/(size-1), confidence at target index (detached constant)
    true_dist = jnp.full_like(x, SMOOTHING / (size - 1))
    rows = jnp.arange(tgt.shape[0])
    true_dist = true_dist.at[rows, tgt].set(CONFIDENCE)
    true_dist = jax.lax.stop_gradient(true_dist)
    # KLDivLoss (reduce=False): true_dist * (log(true_dist) - input)
    kl = true_dist * (jnp.log(true_dist) - x)
    loss = (kl.sum(axis=1) * m).sum() / m.sum()
    return loss

if __name__ == "__main__":
    import jax
    _d = setup_inputs()
    print(jax.jit(kernel)(*tuple(_d.values())))

</pallas_src>

<mosaic_0001>
#map = affine_map<(d0, d1) -> (0)>
#map1 = affine_map<(d0, d1) -> (0, 0)>
module attributes {stable_mosaic.version = 14 : i64} {
  func.func @k(%arg0: i32, %arg1: i32, %arg2: memref<67108864xf32, #tpu.memory_space<hbm>>, %arg3: memref<8192xi32, #tpu.memory_space<hbm>>, %arg4: memref<8192xf32, #tpu.memory_space<hbm>>, %arg5: memref<32x16xf32, #tpu.memory_space<hbm>>, %arg6: memref<128xi32, #tpu.memory_space<vmem>>, %arg7: memref<128xi32, #tpu.memory_space<vmem>>, %arg8: memref<128xf32, #tpu.memory_space<vmem>>, %arg9: memref<128xf32, #tpu.memory_space<vmem>>, %arg10: memref<16xf32, #tpu.memory_space<vmem>>, %arg11: memref<!tpu.dma_semaphore, #tpu.memory_space<semaphore_mem>>) attributes {dimension_semantics = [#tpu.dimension_semantics<core_parallel>, #tpu.dimension_semantics<subcore_parallel>], iteration_bounds = array<i64: 2, 16>, scalar_prefetch = 0 : i64, scratch_operands = 6 : i64, tpu.core_type = #tpu.core_type<sc_vector_subcore>, window_params = [{transform_indices = #map}, {transform_indices = #map}, {transform_indices = #map}, {transform_indices = #map1}]} {
    %mul3A = arith.constant 2 : i32
    %mul3A_0 = arith.muli %arg1, %mul3A : i32
    %add3A = arith.addi %mul3A_0, %arg0 : i32
    %mul3A_1 = arith.constant 256 : i32
    %mul3A_2 = arith.muli %add3A, %mul3A_1 : i32
    %iota3A = tpu.iota {dimensions = array<i32: 0>} : vector<16xi32>
    %broadcast_in_dim3A = arith.constant 0.000000e+00 : f32
    %broadcast_in_dim3A_3 = vector.broadcast %broadcast_in_dim3A : f32 to vector<16xf32>
    %add3A_4 = arith.constant 0 : i32
    %add3A_5 = arith.addi %mul3A_2, %add3A_4 : i32
    "tpu.region"() ({
      %run_scoped3A = tpu.sem_alloc : memref<!tpu.dma_semaphore, #tpu.memory_space<semaphore_mem>>
      %dma_start3A_702 = tpu.memref_slice %arg3[%add3A_5] : memref<8192xi32, #tpu.memory_space<hbm>> -> memref<128xi32, #tpu.memory_space<hbm>>
      %dma_start3A_703 = tpu.memref_slice %arg3[%add3A_5] : memref<8192xi32, #tpu.memory_space<hbm>> -> memref<128xi32, #tpu.memory_space<hbm>>
      tpu.enqueue_dma source(%dma_start3A_703 : memref<128xi32, #tpu.memory_space<hbm>>) target(%arg6 : memref<128xi32, #tpu.memory_space<vmem>>) target_semaphore(%run_scoped3A : memref<!tpu.dma_semaphore, #tpu.memory_space<semaphore_mem>>)
      %dma_wait3A_704 = tpu.memref_slice %arg3[%add3A_5] : memref<8192xi32, #tpu.memory_space<hbm>> -> memref<128xi32, #tpu.memory_space<hbm>>
      %dma_wait3A_705 = tpu.memref_slice %arg3[%add3A_5] : memref<8192xi32, #tpu.memory_space<hbm>> -> memref<128xi32, #tpu.memory_space<hbm>>
      tpu.wait_dma2 semaphore(%run_scoped3A : memref<!tpu.dma_semaphore, #tpu.memory_space<semaphore_mem>>) src(%dma_wait3A_705 : memref<128xi32, #tpu.memory_space<hbm>>) dst(%arg6 : memref<128xi32, #tpu.memory_space<vmem>>)
      tpu.yield
    }) : () -> ()
    "tpu.region"() ({
      %run_scoped3A = tpu.sem_alloc : memref<!tpu.dma_semaphore, #tpu.memory_space<semaphore_mem>>
      %dma_start3A_702 = tpu.memref_slice %arg4[%add3A_5] : memref<8192xf32, #tpu.memory_space<hbm>> -> memref<128xf32, #tpu.memory_space<hbm>>
      %dma_start3A_703 = tpu.memref_slice %arg4[%add3A_5] : memref<8192xf32, #tpu.memory_space<hbm>> -> memref<128xf32, #tpu.memory_space<hbm>>
      tpu.enqueue_dma source(%dma_start3A_703 : memref<128xf32, #tpu.memory_space<hbm>>) target(%arg9 : memref<128xf32, #tpu.memory_space<vmem>>) target_semaphore(%run_scoped3A : memref<!tpu.dma_semaphore, #tpu.memory_space<semaphore_mem>>)
      %dma_wait3A_704 = tpu.memref_slice %arg4[%add3A_5] : memref<8192xf32, #tpu.memory_space<hbm>> -> memref<128xf32, #tpu.memory_space<hbm>>
      %dma_wait3A_705 = tpu.memref_slice %arg4[%add3A_5] : memref<8192xf32, #tpu.memory_space<hbm>> -> memref<128xf32, #tpu.memory_space<hbm>>
      tpu.wait_dma2 semaphore(%run_scoped3A : memref<!tpu.dma_semaphore, #tpu.memory_space<semaphore_mem>>) src(%dma_wait3A_705 : memref<128xf32, #tpu.memory_space<hbm>>) dst(%arg9 : memref<128xf32, #tpu.memory_space<vmem>>)
      tpu.yield
    }) : () -> ()
    %get3A = arith.constant 0 : index
    %get3A_6 = tpu.vector_load %arg6[%get3A] {strides = array<i32>} : memref<128xi32, #tpu.memory_space<vmem>>, vector<16xi32>,
    %get3A_7 = vector.shape_cast %get3A_6 : vector<16xi32> to vector<16xi32>
    %add3A_8 = arith.constant 0 : i32
    %add3A_9 = arith.addi %add3A_5, %add3A_8 : i32
    %broadcast_in_dim3A_10 = vector.broadcast %add3A_9 : i32 to vector<16xi32>
    %add3A_11 = arith.addi %broadcast_in_dim3A_10, %iota3A : vector<16xi32>
    %shift_right_arithmetic3A = arith.constant 3 : i32
    %shift_right_arithmetic3A_12 = vector.broadcast %shift_right_arithmetic3A : i32 to vector<16xi32>
    %shift_right_arithmetic3A_13 = arith.shrsi %add3A_11, %shift_right_arithmetic3A_12 : vector<16xi32>
    %mul3A_14 = arith.constant 65536 : i32
    %mul3A_15 = vector.broadcast %mul3A_14 : i32 to vector<16xi32>
    %mul3A_16 = arith.muli %shift_right_arithmetic3A_13, %mul3A_15 : vector<16xi32>
    %shift_right_arithmetic3A_17 = arith.constant 7 : i32
    %shift_right_arithmetic3A_18 = vector.broadcast %shift_right_arithmetic3A_17 : i32 to vector<16xi32>
    %shift_right_arithmetic3A_19 = arith.shrsi %get3A_7, %shift_right_arithmetic3A_18 : vector<16xi32>
    %mul3A_20 = arith.constant 1024 : i32
    %mul3A_21 = vector.broadcast %mul3A_20 : i32 to vector<16xi32>
    %mul3A_22 = arith.muli %shift_right_arithmetic3A_19, %mul3A_21 : vector<16xi32>
    %add3A_23 = arith.addi %mul3A_16, %mul3A_22 : vector<16xi32>
    %and3A = arith.constant 7 : i32
    %and3A_24 = vector.broadcast %and3A : i32 to vector<16xi32>
    %and3A_25 = arith.andi %add3A_11, %and3A_24 : vector<16xi32>
    %mul3A_26 = arith.constant 128 : i32
    %mul3A_27 = vector.broadcast %mul3A_26 : i32 to vector<16xi32>
    %mul3A_28 = arith.muli %and3A_25, %mul3A_27 : vector<16xi32>
    %add3A_29 = arith.addi %add3A_23, %mul3A_28 : vector<16xi32>
    %and3A_30 = arith.constant 127 : i32
    %and3A_31 = vector.broadcast %and3A_30 : i32 to vector<16xi32>
    %and3A_32 = arith.andi %get3A_7, %and3A_31 : vector<16xi32>
    %add3A_33 = arith.addi %add3A_29, %and3A_32 : vector<16xi32>
    %swap3A = arith.constant 0 : index
    %swap3A_34 = tpu.vector_load %arg7[%swap3A] {strides = array<i32>} : memref<128xi32, #tpu.memory_space<vmem>>, vector<16xi32>,
    %swap3A_35 = vector.shape_cast %swap3A_34 : vector<16xi32> to vector<16xi32>
    %swap3A_36 = vector.shape_cast %add3A_33 : vector<16xi32> to vector<16xi32>
    tpu.vector_store %arg7[%swap3A], %swap3A_36 {strides = array<i32>} : memref<128xi32, #tpu.memory_space<vmem>>, vector<16xi32>,
    %get3A_37 = arith.constant 16 : index
    %get3A_38 = tpu.vector_load %arg6[%get3A_37] {strides = array<i32>} : memref<128xi32, #tpu.memory_space<vmem>>, vector<16xi32>,
    %get3A_39 = vector.shape_cast %get3A_38 : vector<16xi32> to vector<16xi32>
    %add3A_40 = arith.constant 16 : i32
    %add3A_41 = arith.addi %add3A_5, %add3A_40 : i32
    %broadcast_in_dim3A_42 = vector.broadcast %add3A_41 : i32 to vector<16xi32>
    %add3A_43 = arith.addi %broadcast_in_dim3A_42, %iota3A : vector<16xi32>
    %shift_right_arithmetic3A_44 = arith.constant 3 : i32
    %shift_right_arithmetic3A_45 = vector.broadcast %shift_right_arithmetic3A_44 : i32 to vector<16xi32>
    %shift_right_arithmetic3A_46 = arith.shrsi %add3A_43, %shift_right_arithmetic3A_45 : vector<16xi32>
    %mul3A_47 = arith.constant 65536 : i32
    %mul3A_48 = vector.broadcast %mul3A_47 : i32 to vector<16xi32>
    %mul3A_49 = arith.muli %shift_right_arithmetic3A_46, %mul3A_48 : vector<16xi32>
    %shift_right_arithmetic3A_50 = arith.constant 7 : i32
    %shift_right_arithmetic3A_51 = vector.broadcast %shift_right_arithmetic3A_50 : i32 to vector<16xi32>
    %shift_right_arithmetic3A_52 = arith.shrsi %get3A_39, %shift_right_arithmetic3A_51 : vector<16xi32>
    %mul3A_53 = arith.constant 1024 : i32
    %mul3A_54 = vector.broadcast %mul3A_53 : i32 to vector<16xi32>
    %mul3A_55 = arith.muli %shift_right_arithmetic3A_52, %mul3A_54 : vector<16xi32>
    %add3A_56 = arith.addi %mul3A_49, %mul3A_55 : vector<16xi32>
    %and3A_57 = arith.constant 7 : i32
    %and3A_58 = vector.broadcast %and3A_57 : i32 to vector<16xi32>
    %and3A_59 = arith.andi %add3A_43, %and3A_58 : vector<16xi32>
    %mul3A_60 = arith.constant 128 : i32
    %mul3A_61 = vector.broadcast %mul3A_60 : i32 to vector<16xi32>
    %mul3A_62 = arith.muli %and3A_59, %mul3A_61 : vector<16xi32>
    %add3A_63 = arith.addi %add3A_56, %mul3A_62 : vector<16xi32>
    %and3A_64 = arith.constant 127 : i32
    %and3A_65 = vector.broadcast %and3A_64 : i32 to vector<16xi32>
    %and3A_66 = arith.andi %get3A_39, %and3A_65 : vector<16xi32>
    %add3A_67 = arith.addi %add3A_63, %and3A_66 : vector<16xi32>
    %swap3A_68 = arith.constant 16 : index
    %swap3A_69 = tpu.vector_load %arg7[%swap3A_68] {strides = array<i32>} : memref<128xi32, #tpu.memory_space<vmem>>, vector<16xi32>,
    %swap3A_70 = vector.shape_cast %swap3A_69 : vector<16xi32> to vector<16xi32>
    %swap3A_71 = vector.shape_cast %add3A_67 : vector<16xi32> to vector<16xi32>
    tpu.vector_store %arg7[%swap3A_68], %swap3A_71 {strides = array<i32>} : memref<128xi32, #tpu.memory_space<vmem>>, vector<16xi32>,
    %get3A_72 = arith.constant 32 : index
    %get3A_73 = tpu.vector_load %arg6[%get3A_72] {strides = array<i32>} : memref<128xi32, #tpu.memory_space<vmem>>, vector<16xi32>,
    %get3A_74 = vector.shape_cast %get3A_73 : vector<16xi32> to vector<16xi32>
    %add3A_75 = arith.constant 32 : i32
    %add3A_76 = arith.addi %add3A_5, %add3A_75 : i32
    %broadcast_in_dim3A_77 = vector.broadcast %add3A_76 : i32 to vector<16xi32>
    %add3A_78 = arith.addi %broadcast_in_dim3A_77, %iota3A : vector<16xi32>
    %shift_right_arithmetic3A_79 = arith.constant 3 : i32
    %shift_right_arithmetic3A_80 = vector.broadcast %shift_right_arithmetic3A_79 : i32 to vector<16xi32>
    %shift_right_arithmetic3A_81 = arith.shrsi %add3A_78, %shift_right_arithmetic3A_80 : vector<16xi32>
    %mul3A_82 = arith.constant 65536 : i32
    %mul3A_83 = vector.broadcast %mul3A_82 : i32 to vector<16xi32>
    %mul3A_84 = arith.muli %shift_right_arithmetic3A_81, %mul3A_83 : vector<16xi32>
    %shift_right_arithmetic3A_85 = arith.constant 7 : i32
    %shift_right_arithmetic3A_86 = vector.broadcast %shift_right_arithmetic3A_85 : i32 to vector<16xi32>
    %shift_right_arithmetic3A_87 = arith.shrsi %get3A_74, %shift_right_arithmetic3A_86 : vector<16xi32>
    %mul3A_88 = arith.constant 1024 : i32
    %mul3A_89 = vector.broadcast %mul3A_88 : i32 to vector<16xi32>
    %mul3A_90 = arith.muli %shift_right_arithmetic3A_87, %mul3A_89 : vector<16xi32>
    %add3A_91 = arith.addi %mul3A_84, %mul3A_90 : vector<16xi32>
    %and3A_92 = arith.constant 7 : i32
    %and3A_93 = vector.broadcast %and3A_92 : i32 to vector<16xi32>
    %and3A_94 = arith.andi %add3A_78, %and3A_93 : vector<16xi32>
    %mul3A_95 = arith.constant 128 : i32
    %mul3A_96 = vector.broadcast %mul3A_95 : i32 to vector<16xi32>
    %mul3A_97 = arith.muli %and3A_94, %mul3A_96 : vector<16xi32>
    %add3A_98 = arith.addi %add3A_91, %mul3A_97 : vector<16xi32>
    %and3A_99 = arith.constant 127 : i32
    %and3A_100 = vector.broadcast %and3A_99 : i32 to vector<16xi32>
    %and3A_101 = arith.andi %get3A_74, %and3A_100 : vector<16xi32>
    %add3A_102 = arith.addi %add3A_98, %and3A_101 : vector<16xi32>
    %swap3A_103 = arith.constant 32 : index
    %swap3A_104 = tpu.vector_load %arg7[%swap3A_103] {strides = array<i32>} : memref<128xi32, #tpu.memory_space<vmem>>, vector<16xi32>,
    %swap3A_105 = vector.shape_cast %swap3A_104 : vector<16xi32> to vector<16xi32>
    %swap3A_106 = vector.shape_cast %add3A_102 : vector<16xi32> to vector<16xi32>
    tpu.vector_store %arg7[%swap3A_103], %swap3A_106 {strides = array<i32>} : memref<128xi32, #tpu.memory_space<vmem>>, vector<16xi32>,
    %get3A_107 = arith.constant 48 : index
    %get3A_108 = tpu.vector_load %arg6[%get3A_107] {strides = array<i32>} : memref<128xi32, #tpu.memory_space<vmem>>, vector<16xi32>,
    %get3A_109 = vector.shape_cast %get3A_108 : vector<16xi32> to vector<16xi32>
    %add3A_110 = arith.constant 48 : i32
    %add3A_111 = arith.addi %add3A_5, %add3A_110 : i32
    %broadcast_in_dim3A_112 = vector.broadcast %add3A_111 : i32 to vector<16xi32>
    %add3A_113 = arith.addi %broadcast_in_dim3A_112, %iota3A : vector<16xi32>
    %shift_right_arithmetic3A_114 = arith.constant 3 : i32
    %shift_right_arithmetic3A_115 = vector.broadcast %shift_right_arithmetic3A_114 : i32 to vector<16xi32>
    %shift_right_arithmetic3A_116 = arith.shrsi %add3A_113, %shift_right_arithmetic3A_115 : vector<16xi32>
    %mul3A_117 = arith.constant 65536 : i32
    %mul3A_118 = vector.broadcast %mul3A_117 : i32 to vector<16xi32>
    %mul3A_119 = arith.muli %shift_right_arithmetic3A_116, %mul3A_118 : vector<16xi32>
    %shift_right_arithmetic3A_120 = arith.constant 7 : i32
    %shift_right_arithmetic3A_121 = vector.broadcast %shift_right_arithmetic3A_120 : i32 to vector<16xi32>
    %shift_right_arithmetic3A_122 = arith.shrsi %get3A_109, %shift_right_arithmetic3A_121 : vector<16xi32>
    %mul3A_123 = arith.constant 1024 : i32
    %mul3A_124 = vector.broadcast %mul3A_123 : i32 to vector<16xi32>
    %mul3A_125 = arith.muli %shift_right_arithmetic3A_122, %mul3A_124 : vector<16xi32>
    %add3A_126 = arith.addi %mul3A_119, %mul3A_125 : vector<16xi32>
    %and3A_127 = arith.constant 7 : i32
    %and3A_128 = vector.broadcast %and3A_127 : i32 to vector<16xi32>
    %and3A_129 = arith.andi %add3A_113, %and3A_128 : vector<16xi32>
    %mul3A_130 = arith.constant 128 : i32
    %mul3A_131 = vector.broadcast %mul3A_130 : i32 to vector<16xi32>
    %mul3A_132 = arith.muli %and3A_129, %mul3A_131 : vector<16xi32>
    %add3A_133 = arith.addi %add3A_126, %mul3A_132 : vector<16xi32>
    %and3A_134 = arith.constant 127 : i32
    %and3A_135 = vector.broadcast %and3A_134 : i32 to vector<16xi32>
    %and3A_136 = arith.andi %get3A_109, %and3A_135 : vector<16xi32>
    %add3A_137 = arith.addi %add3A_133, %and3A_136 : vector<16xi32>
    %swap3A_138 = arith.constant 48 : index
    %swap3A_139 = tpu.vector_load %arg7[%swap3A_138] {strides = array<i32>} : memref<128xi32, #tpu.memory_space<vmem>>, vector<16xi32>,
    %swap3A_140 = vector.shape_cast %swap3A_139 : vector<16xi32> to vector<16xi32>
    %swap3A_141 = vector.shape_cast %add3A_137 : vector<16xi32> to vector<16xi32>
    tpu.vector_store %arg7[%swap3A_138], %swap3A_141 {strides = array<i32>} : memref<128xi32, #tpu.memory_space<vmem>>, vector<16xi32>,
    %get3A_142 = arith.constant 64 : index
    %get3A_143 = tpu.vector_load %arg6[%get3A_142] {strides = array<i32>} : memref<128xi32, #tpu.memory_space<vmem>>, vector<16xi32>,
    %get3A_144 = vector.shape_cast %get3A_143 : vector<16xi32> to vector<16xi32>
    %add3A_145 = arith.constant 64 : i32
    %add3A_146 = arith.addi %add3A_5, %add3A_145 : i32
    %broadcast_in_dim3A_147 = vector.broadcast %add3A_146 : i32 to vector<16xi32>
    %add3A_148 = arith.addi %broadcast_in_dim3A_147, %iota3A : vector<16xi32>
    %shift_right_arithmetic3A_149 = arith.constant 3 : i32
    %shift_right_arithmetic3A_150 = vector.broadcast %shift_right_arithmetic3A_149 : i32 to vector<16xi32>
    %shift_right_arithmetic3A_151 = arith.shrsi %add3A_148, %shift_right_arithmetic3A_150 : vector<16xi32>
    %mul3A_152 = arith.constant 65536 : i32
    %mul3A_153 = vector.broadcast %mul3A_152 : i32 to vector<16xi32>
    %mul3A_154 = arith.muli %shift_right_arithmetic3A_151, %mul3A_153 : vector<16xi32>
    %shift_right_arithmetic3A_155 = arith.constant 7 : i32
    %shift_right_arithmetic3A_156 = vector.broadcast %shift_right_arithmetic3A_155 : i32 to vector<16xi32>
    %shift_right_arithmetic3A_157 = arith.shrsi %get3A_144, %shift_right_arithmetic3A_156 : vector<16xi32>
    %mul3A_158 = arith.constant 1024 : i32
    %mul3A_159 = vector.broadcast %mul3A_158 : i32 to vector<16xi32>
    %mul3A_160 = arith.muli %shift_right_arithmetic3A_157, %mul3A_159 : vector<16xi32>
    %add3A_161 = arith.addi %mul3A_154, %mul3A_160 : vector<16xi32>
    %and3A_162 = arith.constant 7 : i32
    %and3A_163 = vector.broadcast %and3A_162 : i32 to vector<16xi32>
    %and3A_164 = arith.andi %add3A_148, %and3A_163 : vector<16xi32>
    %mul3A_165 = arith.constant 128 : i32
    %mul3A_166 = vector.broadcast %mul3A_165 : i32 to vector<16xi32>
    %mul3A_167 = arith.muli %and3A_164, %mul3A_166 : vector<16xi32>
    %add3A_168 = arith.addi %add3A_161, %mul3A_167 : vector<16xi32>
    %and3A_169 = arith.constant 127 : i32
    %and3A_170 = vector.broadcast %and3A_169 : i32 to vector<16xi32>
    %and3A_171 = arith.andi %get3A_144, %and3A_170 : vector<16xi32>
    %add3A_172 = arith.addi %add3A_168, %and3A_171 : vector<16xi32>
    %swap3A_173 = arith.constant 64 : index
    %swap3A_174 = tpu.vector_load %arg7[%swap3A_173] {strides = array<i32>} : memref<128xi32, #tpu.memory_space<vmem>>, vector<16xi32>,
    %swap3A_175 = vector.shape_cast %swap3A_174 : vector<16xi32> to vector<16xi32>
    %swap3A_176 = vector.shape_cast %add3A_172 : vector<16xi32> to vector<16xi32>
    tpu.vector_store %arg7[%swap3A_173], %swap3A_176 {strides = array<i32>} : memref<128xi32, #tpu.memory_space<vmem>>, vector<16xi32>,
    %get3A_177 = arith.constant 80 : index
    %get3A_178 = tpu.vector_load %arg6[%get3A_177] {strides = array<i32>} : memref<128xi32, #tpu.memory_space<vmem>>, vector<16xi32>,
    %get3A_179 = vector.shape_cast %get3A_178 : vector<16xi32> to vector<16xi32>
    %add3A_180 = arith.constant 80 : i32
    %add3A_181 = arith.addi %add3A_5, %add3A_180 : i32
    %broadcast_in_dim3A_182 = vector.broadcast %add3A_181 : i32 to vector<16xi32>
    %add3A_183 = arith.addi %broadcast_in_dim3A_182, %iota3A : vector<16xi32>
    %shift_right_arithmetic3A_184 = arith.constant 3 : i32
    %shift_right_arithmetic3A_185 = vector.broadcast %shift_right_arithmetic3A_184 : i32 to vector<16xi32>
    %shift_right_arithmetic3A_186 = arith.shrsi %add3A_183, %shift_right_arithmetic3A_185 : vector<16xi32>
    %mul3A_187 = arith.constant 65536 : i32
    %mul3A_188 = vector.broadcast %mul3A_187 : i32 to vector<16xi32>
    %mul3A_189 = arith.muli %shift_right_arithmetic3A_186, %mul3A_188 : vector<16xi32>
    %shift_right_arithmetic3A_190 = arith.constant 7 : i32
    %shift_right_arithmetic3A_191 = vector.broadcast %shift_right_arithmetic3A_190 : i32 to vector<16xi32>
    %shift_right_arithmetic3A_192 = arith.shrsi %get3A_179, %shift_right_arithmetic3A_191 : vector<16xi32>
    %mul3A_193 = arith.constant 1024 : i32
    %mul3A_194 = vector.broadcast %mul3A_193 : i32 to vector<16xi32>
    %mul3A_195 = arith.muli %shift_right_arithmetic3A_192, %mul3A_194 : vector<16xi32>
    %add3A_196 = arith.addi %mul3A_189, %mul3A_195 : vector<16xi32>
    %and3A_197 = arith.constant 7 : i32
    %and3A_198 = vector.broadcast %and3A_197 : i32 to vector<16xi32>
    %and3A_199 = arith.andi %add3A_183, %and3A_198 : vector<16xi32>
    %mul3A_200 = arith.constant 128 : i32
    %mul3A_201 = vector.broadcast %mul3A_200 : i32 to vector<16xi32>
    %mul3A_202 = arith.muli %and3A_199, %mul3A_201 : vector<16xi32>
    %add3A_203 = arith.addi %add3A_196, %mul3A_202 : vector<16xi32>
    %and3A_204 = arith.constant 127 : i32
    %and3A_205 = vector.broadcast %and3A_204 : i32 to vector<16xi32>
    %and3A_206 = arith.andi %get3A_179, %and3A_205 : vector<16xi32>
    %add3A_207 = arith.addi %add3A_203, %and3A_206 : vector<16xi32>
    %swap3A_208 = arith.constant 80 : index
    %swap3A_209 = tpu.vector_load %arg7[%swap3A_208] {strides = array<i32>} : memref<128xi32, #tpu.memory_space<vmem>>, vector<16xi32>,
    %swap3A_210 = vector.shape_cast %swap3A_209 : vector<16xi32> to vector<16xi32>
    %swap3A_211 = vector.shape_cast %add3A_207 : vector<16xi32> to vector<16xi32>
    tpu.vector_store %arg7[%swap3A_208], %swap3A_211 {strides = array<i32>} : memref<128xi32, #tpu.memory_space<vmem>>, vector<16xi32>,
    %get3A_212 = arith.constant 96 : index
    %get3A_213 = tpu.vector_load %arg6[%get3A_212] {strides = array<i32>} : memref<128xi32, #tpu.memory_space<vmem>>, vector<16xi32>,
    %get3A_214 = vector.shape_cast %get3A_213 : vector<16xi32> to vector<16xi32>
    %add3A_215 = arith.constant 96 : i32
    %add3A_216 = arith.addi %add3A_5, %add3A_215 : i32
    %broadcast_in_dim3A_217 = vector.broadcast %add3A_216 : i32 to vector<16xi32>
    %add3A_218 = arith.addi %broadcast_in_dim3A_217, %iota3A : vector<16xi32>
    %shift_right_arithmetic3A_219 = arith.constant 3 : i32
    %shift_right_arithmetic3A_220 = vector.broadcast %shift_right_arithmetic3A_219 : i32 to vector<16xi32>
    %shift_right_arithmetic3A_221 = arith.shrsi %add3A_218, %shift_right_arithmetic3A_220 : vector<16xi32>
    %mul3A_222 = arith.constant 65536 : i32
    %mul3A_223 = vector.broadcast %mul3A_222 : i32 to vector<16xi32>
    %mul3A_224 = arith.muli %shift_right_arithmetic3A_221, %mul3A_223 : vector<16xi32>
    %shift_right_arithmetic3A_225 = arith.constant 7 : i32
    %shift_right_arithmetic3A_226 = vector.broadcast %shift_right_arithmetic3A_225 : i32 to vector<16xi32>
    %shift_right_arithmetic3A_227 = arith.shrsi %get3A_214, %shift_right_arithmetic3A_226 : vector<16xi32>
    %mul3A_228 = arith.constant 1024 : i32
    %mul3A_229 = vector.broadcast %mul3A_228 : i32 to vector<16xi32>
    %mul3A_230 = arith.muli %shift_right_arithmetic3A_227, %mul3A_229 : vector<16xi32>
    %add3A_231 = arith.addi %mul3A_224, %mul3A_230 : vector<16xi32>
    %and3A_232 = arith.constant 7 : i32
    %and3A_233 = vector.broadcast %and3A_232 : i32 to vector<16xi32>
    %and3A_234 = arith.andi %add3A_218, %and3A_233 : vector<16xi32>
    %mul3A_235 = arith.constant 128 : i32
    %mul3A_236 = vector.broadcast %mul3A_235 : i32 to vector<16xi32>
    %mul3A_237 = arith.muli %and3A_234, %mul3A_236 : vector<16xi32>
    %add3A_238 = arith.addi %add3A_231, %mul3A_237 : vector<16xi32>
    %and3A_239 = arith.constant 127 : i32
    %and3A_240 = vector.broadcast %and3A_239 : i32 to vector<16xi32>
    %and3A_241 = arith.andi %get3A_214, %and3A_240 : vector<16xi32>
    %add3A_242 = arith.addi %add3A_238, %and3A_241 : vector<16xi32>
    %swap3A_243 = arith.constant 96 : index
    %swap3A_244 = tpu.vector_load %arg7[%swap3A_243] {strides = array<i32>} : memref<128xi32, #tpu.memory_space<vmem>>, vector<16xi32>,
    %swap3A_245 = vector.shape_cast %swap3A_244 : vector<16xi32> to vector<16xi32>
    %swap3A_246 = vector.shape_cast %add3A_242 : vector<16xi32> to vector<16xi32>
    tpu.vector_store %arg7[%swap3A_243], %swap3A_246 {strides = array<i32>} : memref<128xi32, #tpu.memory_space<vmem>>, vector<16xi32>,
    %get3A_247 = arith.constant 112 : index
    %get3A_248 = tpu.vector_load %arg6[%get3A_247] {strides = array<i32>} : memref<128xi32, #tpu.memory_space<vmem>>, vector<16xi32>,
    %get3A_249 = vector.shape_cast %get3A_248 : vector<16xi32> to vector<16xi32>
    %add3A_250 = arith.constant 112 : i32
    %add3A_251 = arith.addi %add3A_5, %add3A_250 : i32
    %broadcast_in_dim3A_252 = vector.broadcast %add3A_251 : i32 to vector<16xi32>
    %add3A_253 = arith.addi %broadcast_in_dim3A_252, %iota3A : vector<16xi32>
    %shift_right_arithmetic3A_254 = arith.constant 3 : i32
    %shift_right_arithmetic3A_255 = vector.broadcast %shift_right_arithmetic3A_254 : i32 to vector<16xi32>
    %shift_right_arithmetic3A_256 = arith.shrsi %add3A_253, %shift_right_arithmetic3A_255 : vector<16xi32>
    %mul3A_257 = arith.constant 65536 : i32
    %mul3A_258 = vector.broadcast %mul3A_257 : i32 to vector<16xi32>
    %mul3A_259 = arith.muli %shift_right_arithmetic3A_256, %mul3A_258 : vector<16xi32>
    %shift_right_arithmetic3A_260 = arith.constant 7 : i32
    %shift_right_arithmetic3A_261 = vector.broadcast %shift_right_arithmetic3A_260 : i32 to vector<16xi32>
    %shift_right_arithmetic3A_262 = arith.shrsi %get3A_249, %shift_right_arithmetic3A_261 : vector<16xi32>
    %mul3A_263 = arith.constant 1024 : i32
    %mul3A_264 = vector.broadcast %mul3A_263 : i32 to vector<16xi32>
    %mul3A_265 = arith.muli %shift_right_arithmetic3A_262, %mul3A_264 : vector<16xi32>
    %add3A_266 = arith.addi %mul3A_259, %mul3A_265 : vector<16xi32>
    %and3A_267 = arith.constant 7 : i32
    %and3A_268 = vector.broadcast %and3A_267 : i32 to vector<16xi32>
    %and3A_269 = arith.andi %add3A_253, %and3A_268 : vector<16xi32>
    %mul3A_270 = arith.constant 128 : i32
    %mul3A_271 = vector.broadcast %mul3A_270 : i32 to vector<16xi32>
    %mul3A_272 = arith.muli %and3A_269, %mul3A_271 : vector<16xi32>
    %add3A_273 = arith.addi %add3A_266, %mul3A_272 : vector<16xi32>
    %and3A_274 = arith.constant 127 : i32
    %and3A_275 = vector.broadcast %and3A_274 : i32 to vector<16xi32>
    %and3A_276 = arith.andi %get3A_249, %and3A_275 : vector<16xi32>
    %add3A_277 = arith.addi %add3A_273, %and3A_276 : vector<16xi32>
    %swap3A_278 = arith.constant 112 : index
    %swap3A_279 = tpu.vector_load %arg7[%swap3A_278] {strides = array<i32>} : memref<128xi32, #tpu.memory_space<vmem>>, vector<16xi32>,
    %swap3A_280 = vector.shape_cast %swap3A_279 : vector<16xi32> to vector<16xi32>
    %swap3A_281 = vector.shape_cast %add3A_277 : vector<16xi32> to vector<16xi32>
    tpu.vector_store %arg7[%swap3A_278], %swap3A_281 {strides = array<i32>} : memref<128xi32, #tpu.memory_space<vmem>>, vector<16xi32>,
    %dma_start3A = arith.constant 0 : i32
    %dma_start3A_282 = tpu.memref_slice %arg2[%dma_start3A] : memref<67108864xf32, #tpu.memory_space<hbm>> -> memref<67108864xf32, #tpu.memory_space<hbm>>
    tpu.enqueue_indirect_dma source(%dma_start3A_282 : memref<67108864xf32, #tpu.memory_space<hbm>>) target(%arg8 : memref<128xf32, #tpu.memory_space<vmem>>) offsets(%arg7 : memref<128xi32, #tpu.memory_space<vmem>>) semaphore(%arg11 : memref<!tpu.dma_semaphore, #tpu.memory_space<semaphore_mem>>)
    %dma_wait3A = arith.constant 0 : i32
    %dma_wait3A_283 = tpu.memref_slice %arg2[%dma_wait3A] : memref<67108864xf32, #tpu.memory_space<hbm>> -> memref<67108864xf32, #tpu.memory_space<hbm>>
    tpu.wait_indirect_dma semaphore(%arg11 : memref<!tpu.dma_semaphore, #tpu.memory_space<semaphore_mem>>) src(%dma_wait3A_283 : memref<67108864xf32, #tpu.memory_space<hbm>>) dst(%arg8 : memref<128xf32, #tpu.memory_space<vmem>>)
    %get3A_284 = arith.constant 0 : index
    %get3A_285 = tpu.vector_load %arg8[%get3A_284] {strides = array<i32>} : memref<128xf32, #tpu.memory_space<vmem>>, vector<16xf32>,
    %get3A_286 = vector.shape_cast %get3A_285 : vector<16xf32> to vector<16xf32>
    %get3A_287 = arith.constant 0 : index
    %get3A_288 = tpu.vector_load %arg9[%get3A_287] {strides = array<i32>} : memref<128xf32, #tpu.memory_space<vmem>>, vector<16xf32>,
    %get3A_289 = vector.shape_cast %get3A_288 : vector<16xf32> to vector<16xf32>
    %mul3A_290 = arith.mulf %get3A_286, %get3A_289 : vector<16xf32>
    %add3A_291 = arith.addf %broadcast_in_dim3A_3, %mul3A_290 : vector<16xf32>
    %get3A_292 = arith.constant 16 : index
    %get3A_293 = tpu.vector_load %arg8[%get3A_292] {strides = array<i32>} : memref<128xf32, #tpu.memory_space<vmem>>, vector<16xf32>,
    %get3A_294 = vector.shape_cast %get3A_293 : vector<16xf32> to vector<16xf32>
    %get3A_295 = arith.constant 16 : index
    %get3A_296 = tpu.vector_load %arg9[%get3A_295] {strides = array<i32>} : memref<128xf32, #tpu.memory_space<vmem>>, vector<16xf32>,
    %get3A_297 = vector.shape_cast %get3A_296 : vector<16xf32> to vector<16xf32>
    %mul3A_298 = arith.mulf %get3A_294, %get3A_297 : vector<16xf32>
    %add3A_299 = arith.addf %add3A_291, %mul3A_298 : vector<16xf32>
    %get3A_300 = arith.constant 32 : index
    %get3A_301 = tpu.vector_load %arg8[%get3A_300] {strides = array<i32>} : memref<128xf32, #tpu.memory_space<vmem>>, vector<16xf32>,
    %get3A_302 = vector.shape_cast %get3A_301 : vector<16xf32> to vector<16xf32>
    %get3A_303 = arith.constant 32 : index
    %get3A_304 = tpu.vector_load %arg9[%get3A_303] {strides = array<i32>} : memref<128xf32, #tpu.memory_space<vmem>>, vector<16xf32>,
    %get3A_305 = vector.shape_cast %get3A_304 : vector<16xf32> to vector<16xf32>
    %mul3A_306 = arith.mulf %get3A_302, %get3A_305 : vector<16xf32>
    %add3A_307 = arith.addf %add3A_299, %mul3A_306 : vector<16xf32>
    %get3A_308 = arith.constant 48 : index
    %get3A_309 = tpu.vector_load %arg8[%get3A_308] {strides = array<i32>} : memref<128xf32, #tpu.memory_space<vmem>>, vector<16xf32>,
    %get3A_310 = vector.shape_cast %get3A_309 : vector<16xf32> to vector<16xf32>
    %get3A_311 = arith.constant 48 : index
    %get3A_312 = tpu.vector_load %arg9[%get3A_311] {strides = array<i32>} : memref<128xf32, #tpu.memory_space<vmem>>, vector<16xf32>,
    %get3A_313 = vector.shape_cast %get3A_312 : vector<16xf32> to vector<16xf32>
    %mul3A_314 = arith.mulf %get3A_310, %get3A_313 : vector<16xf32>
    %add3A_315 = arith.addf %add3A_307, %mul3A_314 : vector<16xf32>
    %get3A_316 = arith.constant 64 : index
    %get3A_317 = tpu.vector_load %arg8[%get3A_316] {strides = array<i32>} : memref<128xf32, #tpu.memory_space<vmem>>, vector<16xf32>,
    %get3A_318 = vector.shape_cast %get3A_317 : vector<16xf32> to vector<16xf32>
    %get3A_319 = arith.constant 64 : index
    %get3A_320 = tpu.vector_load %arg9[%get3A_319] {strides = array<i32>} : memref<128xf32, #tpu.memory_space<vmem>>, vector<16xf32>,
    %get3A_321 = vector.shape_cast %get3A_320 : vector<16xf32> to vector<16xf32>
    %mul3A_322 = arith.mulf %get3A_318, %get3A_321 : vector<16xf32>
    %add3A_323 = arith.addf %add3A_315, %mul3A_322 : vector<16xf32>
    %get3A_324 = arith.constant 80 : index
    %get3A_325 = tpu.vector_load %arg8[%get3A_324] {strides = array<i32>} : memref<128xf32, #tpu.memory_space<vmem>>, vector<16xf32>,
    %get3A_326 = vector.shape_cast %get3A_325 : vector<16xf32> to vector<16xf32>
    %get3A_327 = arith.constant 80 : index
    %get3A_328 = tpu.vector_load %arg9[%get3A_327] {strides = array<i32>} : memref<128xf32, #tpu.memory_space<vmem>>, vector<16xf32>,
    %get3A_329 = vector.shape_cast %get3A_328 : vector<16xf32> to vector<16xf32>
    %mul3A_330 = arith.mulf %get3A_326, %get3A_329 : vector<16xf32>
    %add3A_331 = arith.addf %add3A_323, %mul3A_330 : vector<16xf32>
    %get3A_332 = arith.constant 96 : index
    %get3A_333 = tpu.vector_load %arg8[%get3A_332] {strides = array<i32>} : memref<128xf32, #tpu.memory_space<vmem>>, vector<16xf32>,
    %get3A_334 = vector.shape_cast %get3A_333 : vector<16xf32> to vector<16xf32>
    %get3A_335 = arith.constant 96 : index
    %get3A_336 = tpu.vector_load %arg9[%get3A_335] {strides = array<i32>} : memref<128xf32, #tpu.memory_space<vmem>>, vector<16xf32>,
    %get3A_337 = vector.shape_cast %get3A_336 : vector<16xf32> to vector<16xf32>
    %mul3A_338 = arith.mulf %get3A_334, %get3A_337 : vector<16xf32>
    %add3A_339 = arith.addf %add3A_331, %mul3A_338 : vector<16xf32>
    %get3A_340 = arith.constant 112 : index
    %get3A_341 = tpu.vector_load %arg8[%get3A_340] {strides = array<i32>} : memref<128xf32, #tpu.memory_space<vmem>>, vector<16xf32>,
    %get3A_342 = vector.shape_cast %get3A_341 : vector<16xf32> to vector<16xf32>
    %get3A_343 = arith.constant 112 : index
    %get3A_344 = tpu.vector_load %arg9[%get3A_343] {strides = array<i32>} : memref<128xf32, #tpu.memory_space<vmem>>, vector<16xf32>,
    %get3A_345 = vector.shape_cast %get3A_344 : vector<16xf32> to vector<16xf32>
    %mul3A_346 = arith.mulf %get3A_342, %get3A_345 : vector<16xf32>
    %add3A_347 = arith.addf %add3A_339, %mul3A_346 : vector<16xf32>
    %add3A_348 = arith.constant 128 : i32
    %add3A_349 = arith.addi %mul3A_2, %add3A_348 : i32
    "tpu.region"() ({
      %run_scoped3A = tpu.sem_alloc : memref<!tpu.dma_semaphore, #tpu.memory_space<semaphore_mem>>
      %dma_start3A_702 = tpu.memref_slice %arg3[%add3A_349] : memref<8192xi32, #tpu.memory_space<hbm>> -> memref<128xi32, #tpu.memory_space<hbm>>
      %dma_start3A_703 = tpu.memref_slice %arg3[%add3A_349] : memref<8192xi32, #tpu.memory_space<hbm>> -> memref<128xi32, #tpu.memory_space<hbm>>
      tpu.enqueue_dma source(%dma_start3A_703 : memref<128xi32, #tpu.memory_space<hbm>>) target(%arg6 : memref<128xi32, #tpu.memory_space<vmem>>) target_semaphore(%run_scoped3A : memref<!tpu.dma_semaphore, #tpu.memory_space<semaphore_mem>>)
      %dma_wait3A_704 = tpu.memref_slice %arg3[%add3A_349] : memref<8192xi32, #tpu.memory_space<hbm>> -> memref<128xi32, #tpu.memory_space<hbm>>
      %dma_wait3A_705 = tpu.memref_slice %arg3[%add3A_349] : memref<8192xi32, #tpu.memory_space<hbm>> -> memref<128xi32, #tpu.memory_space<hbm>>
      tpu.wait_dma2 semaphore(%run_scoped3A : memref<!tpu.dma_semaphore, #tpu.memory_space<semaphore_mem>>) src(%dma_wait3A_705 : memref<128xi32, #tpu.memory_space<hbm>>) dst(%arg6 : memref<128xi32, #tpu.memory_space<vmem>>)
      tpu.yield
    }) : () -> ()
    "tpu.region"() ({
      %run_scoped3A = tpu.sem_alloc : memref<!tpu.dma_semaphore, #tpu.memory_space<semaphore_mem>>
      %dma_start3A_702 = tpu.memref_slice %arg4[%add3A_349] : memref<8192xf32, #tpu.memory_space<hbm>> -> memref<128xf32, #tpu.memory_space<hbm>>
      %dma_start3A_703 = tpu.memref_slice %arg4[%add3A_349] : memref<8192xf32, #tpu.memory_space<hbm>> -> memref<128xf32, #tpu.memory_space<hbm>>
      tpu.enqueue_dma source(%dma_start3A_703 : memref<128xf32, #tpu.memory_space<hbm>>) target(%arg9 : memref<128xf32, #tpu.memory_space<vmem>>) target_semaphore(%run_scoped3A : memref<!tpu.dma_semaphore, #tpu.memory_space<semaphore_mem>>)
      %dma_wait3A_704 = tpu.memref_slice %arg4[%add3A_349] : memref<8192xf32, #tpu.memory_space<hbm>> -> memref<128xf32, #tpu.memory_space<hbm>>
      %dma_wait3A_705 = tpu.memref_slice %arg4[%add3A_349] : memref<8192xf32, #tpu.memory_space<hbm>> -> memref<128xf32, #tpu.memory_space<hbm>>
      tpu.wait_dma2 semaphore(%run_scoped3A : memref<!tpu.dma_semaphore, #tpu.memory_space<semaphore_mem>>) src(%dma_wait3A_705 : memref<128xf32, #tpu.memory_space<hbm>>) dst(%arg9 : memref<128xf32, #tpu.memory_space<vmem>>)
      tpu.yield
    }) : () -> ()
    %get3A_350 = arith.constant 0 : index
    %get3A_351 = tpu.vector_load %arg6[%get3A_350] {strides = array<i32>} : memref<128xi32, #tpu.memory_space<vmem>>, vector<16xi32>,
    %get3A_352 = vector.shape_cast %get3A_351 : vector<16xi32> to vector<16xi32>
    %add3A_353 = arith.constant 0 : i32
    %add3A_354 = arith.addi %add3A_349, %add3A_353 : i32
    %broadcast_in_dim3A_355 = vector.broadcast %add3A_354 : i32 to vector<16xi32>
    %add3A_356 = arith.addi %broadcast_in_dim3A_355, %iota3A : vector<16xi32>
    %shift_right_arithmetic3A_357 = arith.constant 3 : i32
    %shift_right_arithmetic3A_358 = vector.broadcast %shift_right_arithmetic3A_357 : i32 to vector<16xi32>
    %shift_right_arithmetic3A_359 = arith.shrsi %add3A_356, %shift_right_arithmetic3A_358 : vector<16xi32>
    %mul3A_360 = arith.constant 65536 : i32
    %mul3A_361 = vector.broadcast %mul3A_360 : i32 to vector<16xi32>
    %mul3A_362 = arith.muli %shift_right_arithmetic3A_359, %mul3A_361 : vector<16xi32>
    %shift_right_arithmetic3A_363 = arith.constant 7 : i32
    %shift_right_arithmetic3A_364 = vector.broadcast %shift_right_arithmetic3A_363 : i32 to vector<16xi32>
    %shift_right_arithmetic3A_365 = arith.shrsi %get3A_352, %shift_right_arithmetic3A_364 : vector<16xi32>
    %mul3A_366 = arith.constant 1024 : i32
    %mul3A_367 = vector.broadcast %mul3A_366 : i32 to vector<16xi32>
    %mul3A_368 = arith.muli %shift_right_arithmetic3A_365, %mul3A_367 : vector<16xi32>
    %add3A_369 = arith.addi %mul3A_362, %mul3A_368 : vector<16xi32>
    %and3A_370 = arith.constant 7 : i32
    %and3A_371 = vector.broadcast %and3A_370 : i32 to vector<16xi32>
    %and3A_372 = arith.andi %add3A_356, %and3A_371 : vector<16xi32>
    %mul3A_373 = arith.constant 128 : i32
    %mul3A_374 = vector.broadcast %mul3A_373 : i32 to vector<16xi32>
    %mul3A_375 = arith.muli %and3A_372, %mul3A_374 : vector<16xi32>
    %add3A_376 = arith.addi %add3A_369, %mul3A_375 : vector<16xi32>
    %and3A_377 = arith.constant 127 : i32
    %and3A_378 = vector.broadcast %and3A_377 : i32 to vector<16xi32>
    %and3A_379 = arith.andi %get3A_352, %and3A_378 : vector<16xi32>
    %add3A_380 = arith.addi %add3A_376, %and3A_379 : vector<16xi32>
    %swap3A_381 = arith.constant 0 : index
    %swap3A_382 = tpu.vector_load %arg7[%swap3A_381] {strides = array<i32>} : memref<128xi32, #tpu.memory_space<vmem>>, vector<16xi32>,
    %swap3A_383 = vector.shape_cast %swap3A_382 : vector<16xi32> to vector<16xi32>
    %swap3A_384 = vector.shape_cast %add3A_380 : vector<16xi32> to vector<16xi32>
    tpu.vector_store %arg7[%swap3A_381], %swap3A_384 {strides = array<i32>} : memref<128xi32, #tpu.memory_space<vmem>>, vector<16xi32>,
    %get3A_385 = arith.constant 16 : index
    %get3A_386 = tpu.vector_load %arg6[%get3A_385] {strides = array<i32>} : memref<128xi32, #tpu.memory_space<vmem>>, vector<16xi32>,
    %get3A_387 = vector.shape_cast %get3A_386 : vector<16xi32> to vector<16xi32>
    %add3A_388 = arith.constant 16 : i32
    %add3A_389 = arith.addi %add3A_349, %add3A_388 : i32
    %broadcast_in_dim3A_390 = vector.broadcast %add3A_389 : i32 to vector<16xi32>
    %add3A_391 = arith.addi %broadcast_in_dim3A_390, %iota3A : vector<16xi32>
    %shift_right_arithmetic3A_392 = arith.constant 3 : i32
    %shift_right_arithmetic3A_393 = vector.broadcast %shift_right_arithmetic3A_392 : i32 to vector<16xi32>
    %shift_right_arithmetic3A_394 = arith.shrsi %add3A_391, %shift_right_arithmetic3A_393 : vector<16xi32>
    %mul3A_395 = arith.constant 65536 : i32
    %mul3A_396 = vector.broadcast %mul3A_395 : i32 to vector<16xi32>
    %mul3A_397 = arith.muli %shift_right_arithmetic3A_394, %mul3A_396 : vector<16xi32>
    %shift_right_arithmetic3A_398 = arith.constant 7 : i32
    %shift_right_arithmetic3A_399 = vector.broadcast %shift_right_arithmetic3A_398 : i32 to vector<16xi32>
    %shift_right_arithmetic3A_400 = arith.shrsi %get3A_387, %shift_right_arithmetic3A_399 : vector<16xi32>
    %mul3A_401 = arith.constant 1024 : i32
    %mul3A_402 = vector.broadcast %mul3A_401 : i32 to vector<16xi32>
    %mul3A_403 = arith.muli %shift_right_arithmetic3A_400, %mul3A_402 : vector<16xi32>
    %add3A_404 = arith.addi %mul3A_397, %mul3A_403 : vector<16xi32>
    %and3A_405 = arith.constant 7 : i32
    %and3A_406 = vector.broadcast %and3A_405 : i32 to vector<16xi32>
    %and3A_407 = arith.andi %add3A_391, %and3A_406 : vector<16xi32>
    %mul3A_408 = arith.constant 128 : i32
    %mul3A_409 = vector.broadcast %mul3A_408 : i32 to vector<16xi32>
    %mul3A_410 = arith.muli %and3A_407, %mul3A_409 : vector<16xi32>
    %add3A_411 = arith.addi %add3A_404, %mul3A_410 : vector<16xi32>
    %and3A_412 = arith.constant 127 : i32
    %and3A_413 = vector.broadcast %and3A_412 : i32 to vector<16xi32>
    %and3A_414 = arith.andi %get3A_387, %and3A_413 : vector<16xi32>
    %add3A_415 = arith.addi %add3A_411, %and3A_414 : vector<16xi32>
    %swap3A_416 = arith.constant 16 : index
    %swap3A_417 = tpu.vector_load %arg7[%swap3A_416] {strides = array<i32>} : memref<128xi32, #tpu.memory_space<vmem>>, vector<16xi32>,
    %swap3A_418 = vector.shape_cast %swap3A_417 : vector<16xi32> to vector<16xi32>
    %swap3A_419 = vector.shape_cast %add3A_415 : vector<16xi32> to vector<16xi32>
    tpu.vector_store %arg7[%swap3A_416], %swap3A_419 {strides = array<i32>} : memref<128xi32, #tpu.memory_space<vmem>>, vector<16xi32>,
    %get3A_420 = arith.constant 32 : index
    %get3A_421 = tpu.vector_load %arg6[%get3A_420] {strides = array<i32>} : memref<128xi32, #tpu.memory_space<vmem>>, vector<16xi32>,
    %get3A_422 = vector.shape_cast %get3A_421 : vector<16xi32> to vector<16xi32>
    %add3A_423 = arith.constant 32 : i32
    %add3A_424 = arith.addi %add3A_349, %add3A_423 : i32
    %broadcast_in_dim3A_425 = vector.broadcast %add3A_424 : i32 to vector<16xi32>
    %add3A_426 = arith.addi %broadcast_in_dim3A_425, %iota3A : vector<16xi32>
    %shift_right_arithmetic3A_427 = arith.constant 3 : i32
    %shift_right_arithmetic3A_428 = vector.broadcast %shift_right_arithmetic3A_427 : i32 to vector<16xi32>
    %shift_right_arithmetic3A_429 = arith.shrsi %add3A_426, %shift_right_arithmetic3A_428 : vector<16xi32>
    %mul3A_430 = arith.constant 65536 : i32
    %mul3A_431 = vector.broadcast %mul3A_430 : i32 to vector<16xi32>
    %mul3A_432 = arith.muli %shift_right_arithmetic3A_429, %mul3A_431 : vector<16xi32>
    %shift_right_arithmetic3A_433 = arith.constant 7 : i32
    %shift_right_arithmetic3A_434 = vector.broadcast %shift_right_arithmetic3A_433 : i32 to vector<16xi32>
    %shift_right_arithmetic3A_435 = arith.shrsi %get3A_422, %shift_right_arithmetic3A_434 : vector<16xi32>
    %mul3A_436 = arith.constant 1024 : i32
    %mul3A_437 = vector.broadcast %mul3A_436 : i32 to vector<16xi32>
    %mul3A_438 = arith.muli %shift_right_arithmetic3A_435, %mul3A_437 : vector<16xi32>
    %add3A_439 = arith.addi %mul3A_432, %mul3A_438 : vector<16xi32>
    %and3A_440 = arith.constant 7 : i32
    %and3A_441 = vector.broadcast %and3A_440 : i32 to vector<16xi32>
    %and3A_442 = arith.andi %add3A_426, %and3A_441 : vector<16xi32>
    %mul3A_443 = arith.constant 128 : i32
    %mul3A_444 = vector.broadcast %mul3A_443 : i32 to vector<16xi32>
    %mul3A_445 = arith.muli %and3A_442, %mul3A_444 : vector<16xi32>
    %add3A_446 = arith.addi %add3A_439, %mul3A_445 : vector<16xi32>
    %and3A_447 = arith.constant 127 : i32
    %and3A_448 = vector.broadcast %and3A_447 : i32 to vector<16xi32>
    %and3A_449 = arith.andi %get3A_422, %and3A_448 : vector<16xi32>
    %add3A_450 = arith.addi %add3A_446, %and3A_449 : vector<16xi32>
    %swap3A_451 = arith.constant 32 : index
    %swap3A_452 = tpu.vector_load %arg7[%swap3A_451] {strides = array<i32>} : memref<128xi32, #tpu.memory_space<vmem>>, vector<16xi32>,
    %swap3A_453 = vector.shape_cast %swap3A_452 : vector<16xi32> to vector<16xi32>
    %swap3A_454 = vector.shape_cast %add3A_450 : vector<16xi32> to vector<16xi32>
    tpu.vector_store %arg7[%swap3A_451], %swap3A_454 {strides = array<i32>} : memref<128xi32, #tpu.memory_space<vmem>>, vector<16xi32>,
    %get3A_455 = arith.constant 48 : index
    %get3A_456 = tpu.vector_load %arg6[%get3A_455] {strides = array<i32>} : memref<128xi32, #tpu.memory_space<vmem>>, vector<16xi32>,
    %get3A_457 = vector.shape_cast %get3A_456 : vector<16xi32> to vector<16xi32>
    %add3A_458 = arith.constant 48 : i32
    %add3A_459 = arith.addi %add3A_349, %add3A_458 : i32
    %broadcast_in_dim3A_460 = vector.broadcast %add3A_459 : i32 to vector<16xi32>
    %add3A_461 = arith.addi %broadcast_in_dim3A_460, %iota3A : vector<16xi32>
    %shift_right_arithmetic3A_462 = arith.constant 3 : i32
    %shift_right_arithmetic3A_463 = vector.broadcast %shift_right_arithmetic3A_462 : i32 to vector<16xi32>
    %shift_right_arithmetic3A_464 = arith.shrsi %add3A_461, %shift_right_arithmetic3A_463 : vector<16xi32>
    %mul3A_465 = arith.constant 65536 : i32
    %mul3A_466 = vector.broadcast %mul3A_465 : i32 to vector<16xi32>
    %mul3A_467 = arith.muli %shift_right_arithmetic3A_464, %mul3A_466 : vector<16xi32>
    %shift_right_arithmetic3A_468 = arith.constant 7 : i32
    %shift_right_arithmetic3A_469 = vector.broadcast %shift_right_arithmetic3A_468 : i32 to vector<16xi32>
    %shift_right_arithmetic3A_470 = arith.shrsi %get3A_457, %shift_right_arithmetic3A_469 : vector<16xi32>
    %mul3A_471 = arith.constant 1024 : i32
    %mul3A_472 = vector.broadcast %mul3A_471 : i32 to vector<16xi32>
    %mul3A_473 = arith.muli %shift_right_arithmetic3A_470, %mul3A_472 : vector<16xi32>
    %add3A_474 = arith.addi %mul3A_467, %mul3A_473 : vector<16xi32>
    %and3A_475 = arith.constant 7 : i32
    %and3A_476 = vector.broadcast %and3A_475 : i32 to vector<16xi32>
    %and3A_477 = arith.andi %add3A_461, %and3A_476 : vector<16xi32>
    %mul3A_478 = arith.constant 128 : i32
    %mul3A_479 = vector.broadcast %mul3A_478 : i32 to vector<16xi32>
    %mul3A_480 = arith.muli %and3A_477, %mul3A_479 : vector<16xi32>
    %add3A_481 = arith.addi %add3A_474, %mul3A_480 : vector<16xi32>
    %and3A_482 = arith.constant 127 : i32
    %and3A_483 = vector.broadcast %and3A_482 : i32 to vector<16xi32>
    %and3A_484 = arith.andi %get3A_457, %and3A_483 : vector<16xi32>
    %add3A_485 = arith.addi %add3A_481, %and3A_484 : vector<16xi32>
    %swap3A_486 = arith.constant 48 : index
    %swap3A_487 = tpu.vector_load %arg7[%swap3A_486] {strides = array<i32>} : memref<128xi32, #tpu.memory_space<vmem>>, vector<16xi32>,
    %swap3A_488 = vector.shape_cast %swap3A_487 : vector<16xi32> to vector<16xi32>
    %swap3A_489 = vector.shape_cast %add3A_485 : vector<16xi32> to vector<16xi32>
    tpu.vector_store %arg7[%swap3A_486], %swap3A_489 {strides = array<i32>} : memref<128xi32, #tpu.memory_space<vmem>>, vector<16xi32>,
    %get3A_490 = arith.constant 64 : index
    %get3A_491 = tpu.vector_load %arg6[%get3A_490] {strides = array<i32>} : memref<128xi32, #tpu.memory_space<vmem>>, vector<16xi32>,
    %get3A_492 = vector.shape_cast %get3A_491 : vector<16xi32> to vector<16xi32>
    %add3A_493 = arith.constant 64 : i32
    %add3A_494 = arith.addi %add3A_349, %add3A_493 : i32
    %broadcast_in_dim3A_495 = vector.broadcast %add3A_494 : i32 to vector<16xi32>
    %add3A_496 = arith.addi %broadcast_in_dim3A_495, %iota3A : vector<16xi32>
    %shift_right_arithmetic3A_497 = arith.constant 3 : i32
    %shift_right_arithmetic3A_498 = vector.broadcast %shift_right_arithmetic3A_497 : i32 to vector<16xi32>
    %shift_right_arithmetic3A_499 = arith.shrsi %add3A_496, %shift_right_arithmetic3A_498 : vector<16xi32>
    %mul3A_500 = arith.constant 65536 : i32
    %mul3A_501 = vector.broadcast %mul3A_500 : i32 to vector<16xi32>
    %mul3A_502 = arith.muli %shift_right_arithmetic3A_499, %mul3A_501 : vector<16xi32>
    %shift_right_arithmetic3A_503 = arith.constant 7 : i32
    %shift_right_arithmetic3A_504 = vector.broadcast %shift_right_arithmetic3A_503 : i32 to vector<16xi32>
    %shift_right_arithmetic3A_505 = arith.shrsi %get3A_492, %shift_right_arithmetic3A_504 : vector<16xi32>
    %mul3A_506 = arith.constant 1024 : i32
    %mul3A_507 = vector.broadcast %mul3A_506 : i32 to vector<16xi32>
    %mul3A_508 = arith.muli %shift_right_arithmetic3A_505, %mul3A_507 : vector<16xi32>
    %add3A_509 = arith.addi %mul3A_502, %mul3A_508 : vector<16xi32>
    %and3A_510 = arith.constant 7 : i32
    %and3A_511 = vector.broadcast %and3A_510 : i32 to vector<16xi32>
    %and3A_512 = arith.andi %add3A_496, %and3A_511 : vector<16xi32>
    %mul3A_513 = arith.constant 128 : i32
    %mul3A_514 = vector.broadcast %mul3A_513 : i32 to vector<16xi32>
    %mul3A_515 = arith.muli %and3A_512, %mul3A_514 : vector<16xi32>
    %add3A_516 = arith.addi %add3A_509, %mul3A_515 : vector<16xi32>
    %and3A_517 = arith.constant 127 : i32
    %and3A_518 = vector.broadcast %and3A_517 : i32 to vector<16xi32>
    %and3A_519 = arith.andi %get3A_492, %and3A_518 : vector<16xi32>
    %add3A_520 = arith.addi %add3A_516, %and3A_519 : vector<16xi32>
    %swap3A_521 = arith.constant 64 : index
    %swap3A_522 = tpu.vector_load %arg7[%swap3A_521] {strides = array<i32>} : memref<128xi32, #tpu.memory_space<vmem>>, vector<16xi32>,
    %swap3A_523 = vector.shape_cast %swap3A_522 : vector<16xi32> to vector<16xi32>
    %swap3A_524 = vector.shape_cast %add3A_520 : vector<16xi32> to vector<16xi32>
    tpu.vector_store %arg7[%swap3A_521], %swap3A_524 {strides = array<i32>} : memref<128xi32, #tpu.memory_space<vmem>>, vector<16xi32>,
    %get3A_525 = arith.constant 80 : index
    %get3A_526 = tpu.vector_load %arg6[%get3A_525] {strides = array<i32>} : memref<128xi32, #tpu.memory_space<vmem>>, vector<16xi32>,
    %get3A_527 = vector.shape_cast %get3A_526 : vector<16xi32> to vector<16xi32>
    %add3A_528 = arith.constant 80 : i32
    %add3A_529 = arith.addi %add3A_349, %add3A_528 : i32
    %broadcast_in_dim3A_530 = vector.broadcast %add3A_529 : i32 to vector<16xi32>
    %add3A_531 = arith.addi %broadcast_in_dim3A_530, %iota3A : vector<16xi32>
    %shift_right_arithmetic3A_532 = arith.constant 3 : i32
    %shift_right_arithmetic3A_533 = vector.broadcast %shift_right_arithmetic3A_532 : i32 to vector<16xi32>
    %shift_right_arithmetic3A_534 = arith.shrsi %add3A_531, %shift_right_arithmetic3A_533 : vector<16xi32>
    %mul3A_535 = arith.constant 65536 : i32
    %mul3A_536 = vector.broadcast %mul3A_535 : i32 to vector<16xi32>
    %mul3A_537 = arith.muli %shift_right_arithmetic3A_534, %mul3A_536 : vector<16xi32>
    %shift_right_arithmetic3A_538 = arith.constant 7 : i32
    %shift_right_arithmetic3A_539 = vector.broadcast %shift_right_arithmetic3A_538 : i32 to vector<16xi32>
    %shift_right_arithmetic3A_540 = arith.shrsi %get3A_527, %shift_right_arithmetic3A_539 : vector<16xi32>
    %mul3A_541 = arith.constant 1024 : i32
    %mul3A_542 = vector.broadcast %mul3A_541 : i32 to vector<16xi32>
    %mul3A_543 = arith.muli %shift_right_arithmetic3A_540, %mul3A_542 : vector<16xi32>
    %add3A_544 = arith.addi %mul3A_537, %mul3A_543 : vector<16xi32>
    %and3A_545 = arith.constant 7 : i32
    %and3A_546 = vector.broadcast %and3A_545 : i32 to vector<16xi32>
    %and3A_547 = arith.andi %add3A_531, %and3A_546 : vector<16xi32>
    %mul3A_548 = arith.constant 128 : i32
    %mul3A_549 = vector.broadcast %mul3A_548 : i32 to vector<16xi32>
    %mul3A_550 = arith.muli %and3A_547, %mul3A_549 : vector<16xi32>
    %add3A_551 = arith.addi %add3A_544, %mul3A_550 : vector<16xi32>
    %and3A_552 = arith.constant 127 : i32
    %and3A_553 = vector.broadcast %and3A_552 : i32 to vector<16xi32>
    %and3A_554 = arith.andi %get3A_527, %and3A_553 : vector<16xi32>
    %add3A_555 = arith.addi %add3A_551, %and3A_554 : vector<16xi32>
    %swap3A_556 = arith.constant 80 : index
    %swap3A_557 = tpu.vector_load %arg7[%swap3A_556] {strides = array<i32>} : memref<128xi32, #tpu.memory_space<vmem>>, vector<16xi32>,
    %swap3A_558 = vector.shape_cast %swap3A_557 : vector<16xi32> to vector<16xi32>
    %swap3A_559 = vector.shape_cast %add3A_555 : vector<16xi32> to vector<16xi32>
    tpu.vector_store %arg7[%swap3A_556], %swap3A_559 {strides = array<i32>} : memref<128xi32, #tpu.memory_space<vmem>>, vector<16xi32>,
    %get3A_560 = arith.constant 96 : index
    %get3A_561 = tpu.vector_load %arg6[%get3A_560] {strides = array<i32>} : memref<128xi32, #tpu.memory_space<vmem>>, vector<16xi32>,
    %get3A_562 = vector.shape_cast %get3A_561 : vector<16xi32> to vector<16xi32>
    %add3A_563 = arith.constant 96 : i32
    %add3A_564 = arith.addi %add3A_349, %add3A_563 : i32
    %broadcast_in_dim3A_565 = vector.broadcast %add3A_564 : i32 to vector<16xi32>
    %add3A_566 = arith.addi %broadcast_in_dim3A_565, %iota3A : vector<16xi32>
    %shift_right_arithmetic3A_567 = arith.constant 3 : i32
    %shift_right_arithmetic3A_568 = vector.broadcast %shift_right_arithmetic3A_567 : i32 to vector<16xi32>
    %shift_right_arithmetic3A_569 = arith.shrsi %add3A_566, %shift_right_arithmetic3A_568 : vector<16xi32>
    %mul3A_570 = arith.constant 65536 : i32
    %mul3A_571 = vector.broadcast %mul3A_570 : i32 to vector<16xi32>
    %mul3A_572 = arith.muli %shift_right_arithmetic3A_569, %mul3A_571 : vector<16xi32>
    %shift_right_arithmetic3A_573 = arith.constant 7 : i32
    %shift_right_arithmetic3A_574 = vector.broadcast %shift_right_arithmetic3A_573 : i32 to vector<16xi32>
    %shift_right_arithmetic3A_575 = arith.shrsi %get3A_562, %shift_right_arithmetic3A_574 : vector<16xi32>
    %mul3A_576 = arith.constant 1024 : i32
    %mul3A_577 = vector.broadcast %mul3A_576 : i32 to vector<16xi32>
    %mul3A_578 = arith.muli %shift_right_arithmetic3A_575, %mul3A_577 : vector<16xi32>
    %add3A_579 = arith.addi %mul3A_572, %mul3A_578 : vector<16xi32>
    %and3A_580 = arith.constant 7 : i32
    %and3A_581 = vector.broadcast %and3A_580 : i32 to vector<16xi32>
    %and3A_582 = arith.andi %add3A_566, %and3A_581 : vector<16xi32>
    %mul3A_583 = arith.constant 128 : i32
    %mul3A_584 = vector.broadcast %mul3A_583 : i32 to vector<16xi32>
    %mul3A_585 = arith.muli %and3A_582, %mul3A_584 : vector<16xi32>
    %add3A_586 = arith.addi %add3A_579, %mul3A_585 : vector<16xi32>
    %and3A_587 = arith.constant 127 : i32
    %and3A_588 = vector.broadcast %and3A_587 : i32 to vector<16xi32>
    %and3A_589 = arith.andi %get3A_562, %and3A_588 : vector<16xi32>
    %add3A_590 = arith.addi %add3A_586, %and3A_589 : vector<16xi32>
    %swap3A_591 = arith.constant 96 : index
    %swap3A_592 = tpu.vector_load %arg7[%swap3A_591] {strides = array<i32>} : memref<128xi32, #tpu.memory_space<vmem>>, vector<16xi32>,
    %swap3A_593 = vector.shape_cast %swap3A_592 : vector<16xi32> to vector<16xi32>
    %swap3A_594 = vector.shape_cast %add3A_590 : vector<16xi32> to vector<16xi32>
    tpu.vector_store %arg7[%swap3A_591], %swap3A_594 {strides = array<i32>} : memref<128xi32, #tpu.memory_space<vmem>>, vector<16xi32>,
    %get3A_595 = arith.constant 112 : index
    %get3A_596 = tpu.vector_load %arg6[%get3A_595] {strides = array<i32>} : memref<128xi32, #tpu.memory_space<vmem>>, vector<16xi32>,
    %get3A_597 = vector.shape_cast %get3A_596 : vector<16xi32> to vector<16xi32>
    %add3A_598 = arith.constant 112 : i32
    %add3A_599 = arith.addi %add3A_349, %add3A_598 : i32
    %broadcast_in_dim3A_600 = vector.broadcast %add3A_599 : i32 to vector<16xi32>
    %add3A_601 = arith.addi %broadcast_in_dim3A_600, %iota3A : vector<16xi32>
    %shift_right_arithmetic3A_602 = arith.constant 3 : i32
    %shift_right_arithmetic3A_603 = vector.broadcast %shift_right_arithmetic3A_602 : i32 to vector<16xi32>
    %shift_right_arithmetic3A_604 = arith.shrsi %add3A_601, %shift_right_arithmetic3A_603 : vector<16xi32>
    %mul3A_605 = arith.constant 65536 : i32
    %mul3A_606 = vector.broadcast %mul3A_605 : i32 to vector<16xi32>
    %mul3A_607 = arith.muli %shift_right_arithmetic3A_604, %mul3A_606 : vector<16xi32>
    %shift_right_arithmetic3A_608 = arith.constant 7 : i32
    %shift_right_arithmetic3A_609 = vector.broadcast %shift_right_arithmetic3A_608 : i32 to vector<16xi32>
    %shift_right_arithmetic3A_610 = arith.shrsi %get3A_597, %shift_right_arithmetic3A_609 : vector<16xi32>
    %mul3A_611 = arith.constant 1024 : i32
    %mul3A_612 = vector.broadcast %mul3A_611 : i32 to vector<16xi32>
    %mul3A_613 = arith.muli %shift_right_arithmetic3A_610, %mul3A_612 : vector<16xi32>
    %add3A_614 = arith.addi %mul3A_607, %mul3A_613 : vector<16xi32>
    %and3A_615 = arith.constant 7 : i32
    %and3A_616 = vector.broadcast %and3A_615 : i32 to vector<16xi32>
    %and3A_617 = arith.andi %add3A_601, %and3A_616 : vector<16xi32>
    %mul3A_618 = arith.constant 128 : i32
    %mul3A_619 = vector.broadcast %mul3A_618 : i32 to vector<16xi32>
    %mul3A_620 = arith.muli %and3A_617, %mul3A_619 : vector<16xi32>
    %add3A_621 = arith.addi %add3A_614, %mul3A_620 : vector<16xi32>
    %and3A_622 = arith.constant 127 : i32
    %and3A_623 = vector.broadcast %and3A_622 : i32 to vector<16xi32>
    %and3A_624 = arith.andi %get3A_597, %and3A_623 : vector<16xi32>
    %add3A_625 = arith.addi %add3A_621, %and3A_624 : vector<16xi32>
    %swap3A_626 = arith.constant 112 : index
    %swap3A_627 = tpu.vector_load %arg7[%swap3A_626] {strides = array<i32>} : memref<128xi32, #tpu.memory_space<vmem>>, vector<16xi32>,
    %swap3A_628 = vector.shape_cast %swap3A_627 : vector<16xi32> to vector<16xi32>
    %swap3A_629 = vector.shape_cast %add3A_625 : vector<16xi32> to vector<16xi32>
    tpu.vector_store %arg7[%swap3A_626], %swap3A_629 {strides = array<i32>} : memref<128xi32, #tpu.memory_space<vmem>>, vector<16xi32>,
    %dma_start3A_630 = arith.constant 0 : i32
    %dma_start3A_631 = tpu.memref_slice %arg2[%dma_start3A_630] : memref<67108864xf32, #tpu.memory_space<hbm>> -> memref<67108864xf32, #tpu.memory_space<hbm>>
    tpu.enqueue_indirect_dma source(%dma_start3A_631 : memref<67108864xf32, #tpu.memory_space<hbm>>) target(%arg8 : memref<128xf32, #tpu.memory_space<vmem>>) offsets(%arg7 : memref<128xi32, #tpu.memory_space<vmem>>) semaphore(%arg11 : memref<!tpu.dma_semaphore, #tpu.memory_space<semaphore_mem>>)
    %dma_wait3A_632 = arith.constant 0 : i32
    %dma_wait3A_633 = tpu.memref_slice %arg2[%dma_wait3A_632] : memref<67108864xf32, #tpu.memory_space<hbm>> -> memref<67108864xf32, #tpu.memory_space<hbm>>
    tpu.wait_indirect_dma semaphore(%arg11 : memref<!tpu.dma_semaphore, #tpu.memory_space<semaphore_mem>>) src(%dma_wait3A_633 : memref<67108864xf32, #tpu.memory_space<hbm>>) dst(%arg8 : memref<128xf32, #tpu.memory_space<vmem>>)
    %get3A_634 = arith.constant 0 : index
    %get3A_635 = tpu.vector_load %arg8[%get3A_634] {strides = array<i32>} : memref<128xf32, #tpu.memory_space<vmem>>, vector<16xf32>,
    %get3A_636 = vector.shape_cast %get3A_635 : vector<16xf32> to vector<16xf32>
    %get3A_637 = arith.constant 0 : index
    %get3A_638 = tpu.vector_load %arg9[%get3A_637] {strides = array<i32>} : memref<128xf32, #tpu.memory_space<vmem>>, vector<16xf32>,
    %get3A_639 = vector.shape_cast %get3A_638 : vector<16xf32> to vector<16xf32>
    %mul3A_640 = arith.mulf %get3A_636, %get3A_639 : vector<16xf32>
    %add3A_641 = arith.addf %add3A_347, %mul3A_640 : vector<16xf32>
    %get3A_642 = arith.constant 16 : index
    %get3A_643 = tpu.vector_load %arg8[%get3A_642] {strides = array<i32>} : memref<128xf32, #tpu.memory_space<vmem>>, vector<16xf32>,
    %get3A_644 = vector.shape_cast %get3A_643 : vector<16xf32> to vector<16xf32>
    %get3A_645 = arith.constant 16 : index
    %get3A_646 = tpu.vector_load %arg9[%get3A_645] {strides = array<i32>} : memref<128xf32, #tpu.memory_space<vmem>>, vector<16xf32>,
    %get3A_647 = vector.shape_cast %get3A_646 : vector<16xf32> to vector<16xf32>
    %mul3A_648 = arith.mulf %get3A_644, %get3A_647 : vector<16xf32>
    %add3A_649 = arith.addf %add3A_641, %mul3A_648 : vector<16xf32>
    %get3A_650 = arith.constant 32 : index
    %get3A_651 = tpu.vector_load %arg8[%get3A_650] {strides = array<i32>} : memref<128xf32, #tpu.memory_space<vmem>>, vector<16xf32>,
    %get3A_652 = vector.shape_cast %get3A_651 : vector<16xf32> to vector<16xf32>
    %get3A_653 = arith.constant 32 : index
    %get3A_654 = tpu.vector_load %arg9[%get3A_653] {strides = array<i32>} : memref<128xf32, #tpu.memory_space<vmem>>, vector<16xf32>,
    %get3A_655 = vector.shape_cast %get3A_654 : vector<16xf32> to vector<16xf32>
    %mul3A_656 = arith.mulf %get3A_652, %get3A_655 : vector<16xf32>
    %add3A_657 = arith.addf %add3A_649, %mul3A_656 : vector<16xf32>
    %get3A_658 = arith.constant 48 : index
    %get3A_659 = tpu.vector_load %arg8[%get3A_658] {strides = array<i32>} : memref<128xf32, #tpu.memory_space<vmem>>, vector<16xf32>,
    %get3A_660 = vector.shape_cast %get3A_659 : vector<16xf32> to vector<16xf32>
    %get3A_661 = arith.constant 48 : index
    %get3A_662 = tpu.vector_load %arg9[%get3A_661] {strides = array<i32>} : memref<128xf32, #tpu.memory_space<vmem>>, vector<16xf32>,
    %get3A_663 = vector.shape_cast %get3A_662 : vector<16xf32> to vector<16xf32>
    %mul3A_664 = arith.mulf %get3A_660, %get3A_663 : vector<16xf32>
    %add3A_665 = arith.addf %add3A_657, %mul3A_664 : vector<16xf32>
    %get3A_666 = arith.constant 64 : index
    %get3A_667 = tpu.vector_load %arg8[%get3A_666] {strides = array<i32>} : memref<128xf32, #tpu.memory_space<vmem>>, vector<16xf32>,
    %get3A_668 = vector.shape_cast %get3A_667 : vector<16xf32> to vector<16xf32>
    %get3A_669 = arith.constant 64 : index
    %get3A_670 = tpu.vector_load %arg9[%get3A_669] {strides = array<i32>} : memref<128xf32, #tpu.memory_space<vmem>>, vector<16xf32>,
    %get3A_671 = vector.shape_cast %get3A_670 : vector<16xf32> to vector<16xf32>
    %mul3A_672 = arith.mulf %get3A_668, %get3A_671 : vector<16xf32>
    %add3A_673 = arith.addf %add3A_665, %mul3A_672 : vector<16xf32>
    %get3A_674 = arith.constant 80 : index
    %get3A_675 = tpu.vector_load %arg8[%get3A_674] {strides = array<i32>} : memref<128xf32, #tpu.memory_space<vmem>>, vector<16xf32>,
    %get3A_676 = vector.shape_cast %get3A_675 : vector<16xf32> to vector<16xf32>
    %get3A_677 = arith.constant 80 : index
    %get3A_678 = tpu.vector_load %arg9[%get3A_677] {strides = array<i32>} : memref<128xf32, #tpu.memory_space<vmem>>, vector<16xf32>,
    %get3A_679 = vector.shape_cast %get3A_678 : vector<16xf32> to vector<16xf32>
    %mul3A_680 = arith.mulf %get3A_676, %get3A_679 : vector<16xf32>
    %add3A_681 = arith.addf %add3A_673, %mul3A_680 : vector<16xf32>
    %get3A_682 = arith.constant 96 : index
    %get3A_683 = tpu.vector_load %arg8[%get3A_682] {strides = array<i32>} : memref<128xf32, #tpu.memory_space<vmem>>, vector<16xf32>,
    %get3A_684 = vector.shape_cast %get3A_683 : vector<16xf32> to vector<16xf32>
    %get3A_685 = arith.constant 96 : index
    %get3A_686 = tpu.vector_load %arg9[%get3A_685] {strides = array<i32>} : memref<128xf32, #tpu.memory_space<vmem>>, vector<16xf32>,
    %get3A_687 = vector.shape_cast %get3A_686 : vector<16xf32> to vector<16xf32>
    %mul3A_688 = arith.mulf %get3A_684, %get3A_687 : vector<16xf32>
    %add3A_689 = arith.addf %add3A_681, %mul3A_688 : vector<16xf32>
    %get3A_690 = arith.constant 112 : index
    %get3A_691 = tpu.vector_load %arg8[%get3A_690] {strides = array<i32>} : memref<128xf32, #tpu.memory_space<vmem>>, vector<16xf32>,
    %get3A_692 = vector.shape_cast %get3A_691 : vector<16xf32> to vector<16xf32>
    %get3A_693 = arith.constant 112 : index
    %get3A_694 = tpu.vector_load %arg9[%get3A_693] {strides = array<i32>} : memref<128xf32, #tpu.memory_space<vmem>>, vector<16xf32>,
    %get3A_695 = vector.shape_cast %get3A_694 : vector<16xf32> to vector<16xf32>
    %mul3A_696 = arith.mulf %get3A_692, %get3A_695 : vector<16xf32>
    %add3A_697 = arith.addf %add3A_689, %mul3A_696 : vector<16xf32>
    %swap3A_698 = arith.constant 0 : index
    %swap3A_699 = tpu.vector_load %arg10[%swap3A_698] {strides = array<i32>} : memref<16xf32, #tpu.memory_space<vmem>>, vector<16xf32>,
    %swap3A_700 = vector.shape_cast %swap3A_699 : vector<16xf32> to vector<16xf32>
    %swap3A_701 = vector.shape_cast %add3A_697 : vector<16xf32> to vector<16xf32>
    tpu.vector_store %arg10[%swap3A_698], %swap3A_701 {strides = array<i32>} : memref<16xf32, #tpu.memory_space<vmem>>, vector<16xf32>,
    "tpu.region"() ({
      %run_scoped3A = tpu.sem_alloc : memref<!tpu.dma_semaphore, #tpu.memory_space<semaphore_mem>>
      %dma_start3A_702 = arith.constant 0 : i32
      %dma_start3A_703 = tpu.memref_slice %arg5[%add3A, %dma_start3A_702] : memref<32x16xf32, #tpu.memory_space<hbm>> -> memref<1x16xf32, #tpu.memory_space<hbm>>
      %dma_start3A_704 = tpu.memref_squeeze %dma_start3A_703 : memref<1x16xf32, #tpu.memory_space<hbm>> -> memref<16xf32, #tpu.memory_space<hbm>>
      %dma_start3A_705 = arith.constant 0 : i32
      %dma_start3A_706 = tpu.memref_slice %arg5[%add3A, %dma_start3A_705] : memref<32x16xf32, #tpu.memory_space<hbm>> -> memref<1x16xf32, #tpu.memory_space<hbm>>
      %dma_start3A_707 = tpu.memref_squeeze %dma_start3A_706 : memref<1x16xf32, #tpu.memory_space<hbm>> -> memref<16xf32, #tpu.memory_space<hbm>>
      tpu.enqueue_dma source(%arg10 : memref<16xf32, #tpu.memory_space<vmem>>) target(%dma_start3A_707 : memref<16xf32, #tpu.memory_space<hbm>>) target_semaphore(%run_scoped3A : memref<!tpu.dma_semaphore, #tpu.memory_space<semaphore_mem>>)
      %dma_wait3A_708 = arith.constant 0 : i32
      %dma_wait3A_709 = tpu.memref_slice %arg5[%add3A, %dma_wait3A_708] : memref<32x16xf32, #tpu.memory_space<hbm>> -> memref<1x16xf32, #tpu.memory_space<hbm>>
      %dma_wait3A_710 = tpu.memref_squeeze %dma_wait3A_709 : memref<1x16xf32, #tpu.memory_space<hbm>> -> memref<16xf32, #tpu.memory_space<hbm>>
      %dma_wait3A_711 = arith.constant 0 : i32
      %dma_wait3A_712 = tpu.memref_slice %arg5[%add3A, %dma_wait3A_711] : memref<32x16xf32, #tpu.memory_space<hbm>> -> memref<1x16xf32, #tpu.memory_space<hbm>>
      %dma_wait3A_713 = tpu.memref_squeeze %dma_wait3A_712 : memref<1x16xf32, #tpu.memory_space<hbm>> -> memref<16xf32, #tpu.memory_space<hbm>>
      tpu.wait_dma2 semaphore(%run_scoped3A : memref<!tpu.dma_semaphore, #tpu.memory_space<semaphore_mem>>) src(%arg10 : memref<16xf32, #tpu.memory_space<vmem>>) dst(%dma_wait3A_713 : memref<16xf32, #tpu.memory_space<hbm>>)
      tpu.yield
    }) : () -> ()
    return
  }
}

module attributes {stable_mosaic.version = 14 : i64} {
  func.func @_tc_rowsum_body(%arg0: i32, %arg1: memref<256x8192xf32, #tpu.memory_space<vmem>>, %arg2: memref<256xf32, #tpu.memory_space<vmem>>, %arg3: memref<1x1x2xf32, #tpu.memory_space<smem>>) attributes {dimension_semantics = [#tpu.dimension_semantics<parallel>], iteration_bounds = array<i64: 32>, scalar_prefetch = 0 : i64, scratch_operands = 0 : i64, tpu.core_type = #tpu.core_type<tc>, window_params = [{transform_indices = @transform_0, window_bounds = array<i64: 256, 8192>}, {transform_indices = @transform_1, window_bounds = array<i64: 256>}, {transform_indices = @transform_2, window_bounds = array<i64: 1, 1, 2>}]} {
    %get3A = arith.constant 0 : index
    %get3A_0 = arith.constant 0 : index
    %get3A_1 = vector.load %arg1[%get3A, %get3A_0] : memref<256x8192xf32, #tpu.memory_space<vmem>>, vector<256x8192xf32>
    %reduce_sum3A = arith.constant dense<0.000000e+00> : vector<256xf32>
    %reduce_sum3A_2 = vector.multi_reduction <add>, %get3A_1, %reduce_sum3A [1] : vector<256x8192xf32> to vector<256xf32>
    %get3A_3 = arith.constant 0 : index
    %get3A_4 = vector.load %arg2[%get3A_3] : memref<256xf32, #tpu.memory_space<vmem>>, vector<256xf32>
    %mul3A = arith.mulf %reduce_sum3A_2, %get3A_4 : vector<256xf32>
    %reduce_sum3A_5 = vector.shape_cast %mul3A : vector<256xf32> to vector<1x256xf32>
    %reduce_sum3A_6 = arith.constant dense<0.000000e+00> : vector<1xf32>
    %reduce_sum3A_7 = vector.multi_reduction <add>, %reduce_sum3A_5, %reduce_sum3A_6 [1] : vector<1x256xf32> to vector<1xf32>
    %reduce_sum3A_8 = vector.shape_cast %reduce_sum3A_7 : vector<1xf32> to vector<1x1xf32>
    %reduce_sum3A_9 = vector.extract %reduce_sum3A_8[0, 0] : f32 from vector<1x1xf32>
    %swap3A = arith.constant 0 : index
    %swap3A_10 = arith.constant 0 : index
    %swap3A_11 = arith.constant 0 : index
    %swap3A_12 = memref.load %arg3[%swap3A, %swap3A_10, %swap3A_11] : memref<1x1x2xf32, #tpu.memory_space<smem>>
    memref.store %reduce_sum3A_9, %arg3[%swap3A, %swap3A_10, %swap3A_11] : memref<1x1x2xf32, #tpu.memory_space<smem>>
    %reduce_sum3A_13 = vector.shape_cast %get3A_4 : vector<256xf32> to vector<1x256xf32>
    %reduce_sum3A_14 = arith.constant dense<0.000000e+00> : vector<1xf32>
    %reduce_sum3A_15 = vector.multi_reduction <add>, %reduce_sum3A_13, %reduce_sum3A_14 [1] : vector<1x256xf32> to vector<1xf32>
    %reduce_sum3A_16 = vector.shape_cast %reduce_sum3A_15 : vector<1xf32> to vector<1x1xf32>
    %reduce_sum3A_17 = vector.extract %reduce_sum3A_16[0, 0] : f32 from vector<1x1xf32>
    %swap3A_18 = arith.constant 0 : index
    %swap3A_19 = arith.constant 0 : index
    %swap3A_20 = arith.constant 1 : index
    %swap3A_21 = memref.load %arg3[%swap3A_18, %swap3A_19, %swap3A_20] : memref<1x1x2xf32, #tpu.memory_space<smem>>
    memref.store %reduce_sum3A_17, %arg3[%swap3A_18, %swap3A_19, %swap3A_20] : memref<1x1x2xf32, #tpu.memory_space<smem>>
    return
  }
  func.func @transform_0(%arg0: i32) -> (i32, i32) {
    %c0_i32 = arith.constant 0 : i32
    %c0_i32_0 = arith.constant 0 : i32
    return %arg0, %c0_i32 : i32, i32
  }
  func.func @transform_1(%arg0: i32) -> i32 {
    %c0_i32 = arith.constant 0 : i32
    return %arg0 : i32
  }
  func.func @transform_2(%arg0: i32) -> (i32, i32, i32) {
    %c0_i32 = arith.constant 0 : i32
    %c0_i32_0 = arith.constant 0 : i32
    %c0_i32_1 = arith.constant 0 : i32
    return %arg0, %c0_i32, %c0_i32_0 : i32, i32, i32
  }
}

</mosaic_0001>

<sc_bundles>
// kernel: kernel.4.cloned.1.call-start
scs
__scs_entry_jumppad:
0x0: {  	(pc) =	sbr.rel $0x88, $3  }
0x1: {  	(tag) =	ssettag $0x0;
	lr =	simm.s32 $0x1  }
0x2: {  	[smem:$0x3F9E] =	sst lr;
	_ =	strace $0xD0000000  }
0x3: {  	_ = 	snop  }
0x4: {  	_ = 	snop  }
0x5: {  	_ = 	snop  }
0x6: {  	_ = 	snop  }
0x7: {  	_ = 	snop  }
__scs_overlays_trampoline_lowered:
0x8: {  	[smem:$0x3FAD] =	sst s0  }
0x9: {  	[smem:$0x3FAE] =	sst s1  }
0xa: {  	[smem:$0x3FAF] =	sst s2  }
0xb: {  	[smem:$0x3FB0] =	sst s3  }
0xc: {  	[smem:$0x3FB1] =	sst s4  }
0xd: {  	[smem:$0x3FB2] =	sst s5  }
0xe: {  	[smem:$0x3FB3] =	sst s6  }
0xf: {  	[smem:$0x3FB4] =	sst s7  }
0x10: {  	[smem:$0x3FB5] =	sst s8  }
0x11: {  	[smem:$0x3FB6] =	sst s9;
	s0 =	simm.s32 @!p0 $0x0  }
0x12: {  	s1 =	sld [smem:$0x3F9C];
	s0 =	simm.s32 @p0 $0x1  }
0x13: {  	[smem:$0x3FB7] =	sst s0;
	s0 =	simm.s32 @!p1 $0x0  }
0x14: {  	s2 =	sld [smem:$0x3F9B];
	s0 =	simm.s32 @p1 $0x1  }
0x15: {  	[smem:$0x3FB8] =	sst s0;
	s0 =	simm.s32 @!p2 $0x0  }
0x16: {  	s3 =	sld [smem:$0x3FDB];
	s0 =	simm.s32 @p2 $0x1  }
0x17: {  	s4 =	simm.s32 $0x1BF5;
	[smem:$0x3FBA] =	sst s0  }
0x18: {  	s0 =	sld [smem:$0x3F9D];
	_ =	swait.ge [sflag:s4], $0x0  }
0x19: {  	s7 =	sld [smem:$0x3F9E]  }
0x1a: {  	s8 =	sadd.s32 $0xFFFFE003, lr  }
0x1b: {  	s9 =	sadd.s32 $0xFFFFFEF7, lr;
	s5 =	simm.s32 $0xFFFFFFFF;
	p2 =	slt.u32 s8, $0xFFFFF086  }
0x1c: {  	p1 =	slt.u32 s9, $0xF7A;
	s5 =	simm.s32 @!p2 $0x0  }
0x1d: {  	s5 =	simm.s32 @p1 $0x1;
	p0 =	seq.s32 s7, s2  }
0x1e: {  	s7 =	smul.u32 @!p0 $0xF7A, s2;
	p2 =	seq.s32 @!p0 s5, $0x0  }
0x1f: {  	s9 =	smul.u32 $0xF7A, s1;
	s8 =	simm.s32 @!p0 $0x1BF5;
	p2 =	por !p2, p0  }
0x20: {  	[sflag:s8] =	ssyncset.s32 @!p0 $0xFFFFF086;
	s6 =	sadd.s32 @!p0 s3, s7;
	s7 =	simm.s32 @!p0 $0x108  }
0x21: {  	s3 =	sadd.s32 s3, s9;
	s6 =	sadd.s32 @!p0 $0x88, s6;
	s7 =	simm.s32 @p2 $0x1082  }
0x22: {  	[simem:s7], [sflag:s8] =	dma.local @!p0 [hbm:s6], $0xF7A  }
0x23: {  	s9 =	sor.u32 $0xD0000000, s2;
	s6 =	simm.s32 $0x108;
	_ =	swait.ge @!p0 [sflag:s8], $0x0  }
0x24: {  	s3 =	sadd.s32 $0x88, s3;
	s6 =	simm.s32 @!p1 $0x1082;
	[sflag:s4] =	ssyncset.s32 $0xFFFFF086  }
0x25: {  	[simem:s6], [sflag:s4] =	dma.local [hbm:s3], $0xF7A  }
0x26: {  	[smem:$0x3F9E] =	sst s1;
	(tag) =	ssettag s2;
	_ =	strace s9  }
0x27: {  	s1 =	sld [smem:$0x3FAE]  }
0x28: {  	s2 =	sld [smem:$0x3FAF]  }
0x29: {  	s4 =	sld [smem:$0x3FB1]  }
0x2a: {  	p0 =	seq.s32 s5, $0x0;
	s5 =	sld [smem:$0x3FB2]  }
0x2b: {  	s6 =	sld [smem:$0x3FB3]  }
0x2c: {  	s7 =	sld [smem:$0x3FB4]  }
0x2d: {  	s3 =	simm.s32 $0x108;
	s8 =	sld [smem:$0x3FB5]  }
0x2e: {  	s3 =	simm.s32 @!p0 $0x1082;
	s9 =	sld [smem:$0x3FB6]  }
0x2f: {  	lr =	sadd.s32 s0, s3;
	s0 =	sld [smem:$0x3FAD]  }
0x30: {  	s3 =	sld [smem:$0x3FB0]  }
0x31: {  	[smem:$0x3FB9] =	sst s10  }
0x32: {  	s10 =	sld [smem:$0x3FB7];
	_ =	sdelay $0x3  }
0x33: {  	p0 =	seq.s32 s10, $0x1;
	s10 =	sld [smem:$0x3FB9];
	_ =	sdelay $0x3  }
0x34: {  	[smem:$0x3FB9] =	sst s10  }
0x35: {  	s10 =	sld [smem:$0x3FB8];
	_ =	sdelay $0x3  }
0x36: {  	p1 =	seq.s32 s10, $0x1;
	s10 =	sld [smem:$0x3FB9];
	_ =	sdelay $0x3  }
0x37: {  	[smem:$0x3FB9] =	sst s10  }
0x38: {  	s10 =	sld [smem:$0x3FBA]  }
0x39: {  	_ = 	snop;
	(pc) =	sbr.ind lr, $3  }
0x3a: {  	_ = 	snop  }
0x3b: {  	_ = 	snop  }
0x3c: {  	p2 =	seq.s32 s10, $0x1;
	s10 =	sld [smem:$0x3FB9]  }
0x3d: {  	_ =	shalt  }
0x3e: {  	_ =	shalt  }
0x3f: {  	_ =	shalt  }
0x40: {  	_ =	shalt  }
0x41: {  	_ =	shalt  }
0x42: {  	_ =	shalt  }
0x43: {  	_ =	shalt  }
0x44: {  	_ =	shalt  }
0x45: {  	_ =	shalt  }
0x46: {  	_ =	shalt  }
0x47: {  	_ =	shalt  }
0x48: {  	_ =	shalt  }
0x49: {  	_ =	shalt  }
0x4a: {  	_ =	shalt  }
0x4b: {  	_ =	shalt  }
0x4c: {  	_ =	shalt  }
0x4d: {  	_ =	shalt  }
0x4e: {  	_ =	shalt  }
0x4f: {  	_ =	shalt  }
0x50: {  	_ =	shalt  }
0x51: {  	_ =	shalt  }
0x52: {  	_ =	shalt  }
0x53: {  	_ =	shalt  }
0x54: {  	_ =	shalt  }
0x55: {  	_ =	shalt  }
0x56: {  	_ =	shalt  }
0x57: {  	_ =	shalt  }
0x58: {  	_ =	shalt  }
0x59: {  	_ =	shalt  }
0x5a: {  	_ =	shalt  }
0x5b: {  	_ =	shalt  }
0x5c: {  	_ =	shalt  }
0x5d: {  	_ =	shalt  }
0x5e: {  	_ =	shalt  }
0x5f: {  	_ =	shalt  }
0x60: {  	_ =	shalt  }
0x61: {  	_ =	shalt  }
0x62: {  	_ =	shalt  }
0x63: {  	_ =	shalt  }
0x64: {  	_ =	shalt  }
0x65: {  	_ =	shalt  }
0x66: {  	_ =	shalt  }
0x67: {  	_ =	shalt  }
0x68: {  	_ =	shalt  }
0x69: {  	_ =	shalt  }
0x6a: {  	_ =	shalt  }
0x6b: {  	_ =	shalt  }
0x6c: {  	_ =	shalt  }
0x6d: {  	_ =	shalt  }
0x6e: {  	_ =	shalt  }
0x6f: {  	_ =	shalt  }
0x70: {  	_ =	shalt  }
0x71: {  	_ =	shalt  }
0x72: {  	_ =	shalt  }
0x73: {  	_ =	shalt  }
0x74: {  	_ =	shalt  }
0x75: {  	_ =	shalt  }
0x76: {  	_ =	shalt  }
0x77: {  	_ =	shalt  }
0x78: {  	_ =	shalt  }
0x79: {  	_ =	shalt  }
0x7a: {  	_ =	shalt  }
0x7b: {  	_ =	shalt  }
0x7c: {  	_ =	shalt  }
0x7d: {  	_ =	shalt  }
0x7e: {  	_ =	shalt  }
0x7f: {  	_ =	shalt  }
0x80: {  	_ =	shalt  }
0x81: {  	_ =	shalt  }
0x82: {  	_ =	shalt  }
0x83: {  	_ =	shalt  }
0x84: {  	_ =	shalt  }
0x85: {  	_ =	shalt  }
0x86: {  	_ =	shalt  }
0x87: {  	_ =	shalt  }
.Lfunc_end0:
.L_simem_size_0:
called_computation_lowered:
.L_overlay_start_0:
0x88: {  	s2 =	sld [smem:$0x3FD9]  }
0x89: {  	s3 =	sld [smem:$0x3FFE];
	_ =	sdelay $0x1  }
0x8a: {  	s1 =	srdreg.scid  }
0x8b: {  	s0 =	sand.u32 $0x1, s1  }
0x8c: {  	s17 =	sshll.u32 s0, $0xA;
	s2 =	sadd.s32 s3, s2  }
0x8d: {  	s2 =	sadd.s32 s2, s17  }
0x8e: {  	[smem:$0x3FC5] =	sst s2  }
0x8f: {  	_ = 	snop  }
0x90: {  	s2 =	sld [smem:$0x3FC9];
	(tm) =	ssettm $0x1  }
0x91: {  	s18 =	sld [smem:$0x3FFB];
	_ =	sdelay $0x3  }
0x92: {  	_ =	strace s18  }
0x93: {  	s3 =	sld [smem:$0x3FFC];
	_ =	sdelay $0x3  }
0x94: {  	_ =	strace s3  }
0x95: {  	s3 =	sld [smem:$0x3FFD];
	_ =	sdelay $0x3  }
0x96: {  	_ =	strace s3  }
0x97: {  	_ =	strace $0x8FFFFFFF  }
0x98: {  	s19 =	sld [smem:$0x3FDB];
	_ =	sdelay $0x1  }
0x99: {  	s4 =	simm.s32 $_scs_section_size  }
0x9a: {  	s5 =	simm.s32 $_size__tile_overlayer_lowered;
	s6 =	simm.s32 $_tile_overlayer_lowered  }
0x9b: {  	s22 =	simm.s32 $0x1BFF;
	s21 =	sshll.u32 s6, $0x1;
	s3 =	sadd.s32 s4, s19  }
0x9c: {  	s7 =	simm.s32 $0x0;
	s20 =	sshll.u32 s5, $0x1;
	s5 =	sadd.s32 s21, s3  }
0x9d: {  	[timem:s7], [sflag:s22] =	dma.local [hbm:s5], s20  }
0x9e: {  	_ =	swait.ge [sflag:s22], s20  }
0x9f: {  	s4 =	ssub.s32 $0x0, s20;
	[sflag:s22] =	ssyncset.done $0x0  }
0xa0: {  	[sflag:s22] =	ssyncadd.s32 s4;
	_ =	sdelay $0x1  }
0xa1: {  	s23 =	simm.s32 $0x1B8B  }
0xa2: {  	_ =	swait.ge [sflag:s23], $0x1  }
0xa3: {  	[sflag:s23] =	ssyncset.done $0x0  }
0xa4: {  	s25 =	simm.s32 $0x1B8E;
	s24 =	sld [smem:$0x3FFE];
	[sflag:s23] =	ssyncadd.s32 $0xFFFFFFFF  }
0xa5: {  	s26 =	simm.s32 $execute0_lowered;
	[smem:$0x3FD2] =	sst s25  }
0xa6: {  	s5 =	sshll.u32 s26, $0x1;
	_ =	strace $0x80000046;
	[dreg:$0x1] =	wrdreg $0xFFFFFFFF  }
0xa7: {  	s28 =	simm.s32 $_size_execute0_lowered;
	s3 =	sadd.s32 s3, s5;
	[dreg:$0x0] =	wrdreg $0x0  }
0xa8: {  	s5 =	sshll.u32 s28, $0x1;
	[dreg:$0x2] =	wrdreg s3  }
0xa9: {  	[dreg:$0x3] =	wrdreg s5  }
0xaa: {  	[dreg:$0x4] =	wrdreg $0xC0  }
0xab: {  	_ =	task [dreg:s7], $0x5FFFF  }
0xac: {  	[dreg:$0x1] =	wrdreg $0xFFFFFFFF  }
0xad: {  	[dreg:$0x0] =	wrdreg $0x60  }
0xae: {  	[dreg:$0x2] =	wrdreg s2  }
0xaf: {  	[dreg:$0x3] =	wrdreg s24  }
0xb0: {  	[dreg:$0x4] =	wrdreg $0x9  }
0xb1: {  	_ =	task.clear_ibuf [dreg:s7], $0x5FFFF;
	_ =	strace $0x90000046  }
0xb2: {  	s29 =	simm.s32 $0x9;
	_ =	strace $0x80000048  }
0xb3: {  	_ =	swait.ge [sflag:s29], $0x1  }
0xb4: {  	[sflag:s29] =	ssyncadd.s32 $0xFFFFFFFF  }
0xb5: {  	_ =	strace $0x90000048  }
0xb6: {  	_ =	sfence  }
0xb7: {  	s30 =	sld [smem:$0x0];
	_ =	sdelay $0x2  }
0xb8: {  	s31 =	sshll.u32 s1, $0xD;
	s1 =	sshrl.u32 s1, $0x2  }
0xb9: {  	s3 =	sand.u32 $0x4000, s31;
	s1 =	sadd.s32 s1, s30  }
0xba: {  	s0 =	sor.u32 s3, s0;
	s1 =	sshll.u32 s1, $0x11  }
0xbb: {  	s0 =	sor.u32 s1, s0  }
0xbc: {  	s0 =	sadd.s32 $0x8F2B, s0  }
0xbd: {  	[sflag:s0] =	ssyncadd.remote.s32 $0x1  }
0xbe: {  	_ =	sfence.sel $0xFFFF  }
0xbf: {  	[dreg:$0x0] =	wrdreg $0xFFFFFFFF;
	(pc) =	sbr.abs _section_cstart, $3  }
0xc0: {  	[dreg:$0x1] =	wrdreg $0xFFFFFFFF  }
0xc1: {  	_ =	task.clear_ibuf [dreg:s7], $0x2FFFF;
	_ =	strace $0x9FFFFFFF  }
0xc2: {  	(tm) =	ssettm $0x7FFFFFFF  }
0xc3: {  	_ =	shalt  }
tec
execute0_lowered:
.L_overlay_start_1:
0x0: {  	(tag) =	ssettag $0x1  }
0x1: {  	s1 =	srdreg.scid;
	s0 =	stileid.u32  }
0x2: {  	s6 =	sand.u32 $0x1, s1;
	s20 =	sshll.u32 s0, $0x1  }
0x3: {  	s4 =	sor.u32 s6, s20  }
0x4: {  	v0 =	vlaneseq.u32;
	s5 =	sshll.u32 s4, $0x8  }
0x5: {  	v13 =	vmul.u32 $0x2000, v0;
	v0 =	vand.u32 $0x7, v0;
	v1 =	vmov s5  }
0x6: {  	v15 =	vmul.u32 $0x80, v0;
	s2 =	sor.u32 $0x20, s5;
	s3 =	sor.u32 $0x30, s5;
	s22 =	sor.u32 $0x40, s5;
	v1 =	vshll.u32 v1, $0xD  }
0x7: {  	s23 =	sor.u32 $0x50, s5;
	s24 =	sor.u32 $0x60, s5;
	s25 =	sor.u32 $0x70, s5;
	v2 =	vmov s2;
	v3 =	vmov s3;
	v4 =	vmov s22  }
0x8: {  	s7 =	sor.u32 $0x80, s5;
	s26 =	sor.u32 $0x90, s5;
	s9 =	sor.u32 $0xA0, s5;
	v5 =	vmov s23;
	v6 =	vmov s24;
	v7 =	vmov s25  }
0x9: {  	s10 =	sor.u32 $0xB0, s5;
	s11 =	sor.u32 $0xC0, s5;
	s12 =	sor.u32 $0xD0, s5;
	v8 =	vmov s7;
	v9 =	vmov s26;
	v10 =	vmov s9  }
0xa: {  	s21 =	sor.u32 $0x10, s5;
	s13 =	sor.u32 $0xE0, s5;
	s5 =	sor.u32 $0xF0, s5;
	v11 =	vmov s10;
	v12 =	vmov s11;
	v14 =	vmov s12  }
0xb: {  	v16 =	vmov s13;
	v17 =	vmov s5;
	v1 =	vor.u32 v13, v1  }
0xc: {  	v2 =	vshll.u32 v2, $0xD;
	v3 =	vshll.u32 v3, $0xD;
	v4 =	vshll.u32 v4, $0xD  }
0xd: {  	v5 =	vshll.u32 v5, $0xD;
	v6 =	vshll.u32 v6, $0xD;
	v7 =	vshll.u32 v7, $0xD  }
0xe: {  	v8 =	vshll.u32 v8, $0xD;
	v9 =	vshll.u32 v9, $0xD;
	v10 =	vshll.u32 v10, $0xD  }
0xf: {  	v11 =	vshll.u32 v11, $0xD;
	v12 =	vshll.u32 v12, $0xD;
	v14 =	vshll.u32 v14, $0xD  }
0x10: {  	v16 =	vshll.u32 v16, $0xD;
	v17 =	vshll.u32 v17, $0xD;
	v0 =	vand.u32 $0x7FE10000, v1  }
0x11: {  	v1 =	vmov s21;
	v2 =	vor.u32 v13, v2;
	v3 =	vor.u32 v13, v3  }
0x12: {  	v4 =	vor.u32 v13, v4;
	v5 =	vor.u32 v13, v5;
	v6 =	vor.u32 v13, v6  }
0x13: {  	v7 =	vor.u32 v13, v7;
	v8 =	vor.u32 v13, v8;
	v9 =	vor.u32 v13, v9  }
0x14: {  	v10 =	vor.u32 v13, v10;
	v11 =	vor.u32 v13, v11;
	v12 =	vor.u32 v13, v12  }
0x15: {  	v14 =	vor.u32 v13, v14;
	v16 =	vor.u32 v13, v16;
	v0 =	vor.u32 v15, v0  }
0x16: {  	v1 =	vshll.u32 v1, $0xD;
	v2 =	vand.u32 $0xFFE50000, v2;
	v3 =	vand.u32 $0xFFE70000, v3  }
0x17: {  	v4 =	vand.u32 $0xFFE90000, v4;
	v5 =	vand.u32 $0xFFEB0000, v5;
	v6 =	vand.u32 $0xFFED0000, v6  }
0x18: {  	s8 =	rddreg [dreg:$0x1];
	s14 =	simm.s32 $0x1;
	v7 =	vand.u32 $0xFFEF0000, v7;
	v8 =	vand.u32 $0xFFF10000, v8;
	v9 =	vand.u32 $0xFFF30000, v9  }
0x19: {  	s15 =	simm.s32 $0x200;
	s1 =	rddreg [dreg:$0x0];
	s29 =	sadd.s32 $0x400, s8;
	v10 =	vand.u32 $0xFFF50000, v10;
	v11 =	vand.u32 $0xFFF70000, v11;
	v12 =	vand.u32 $0xFFF90000, v12  }
0x1a: {  	s6 =	ssub.s32 $0x2, s6;
	s28 =	sshll.u32 s4, $0x4;
	s31 =	sshll.u32 s4, $0x5;
	v14 =	vand.u32 $0xFFFB0000, v14;
	v16 =	vand.u32 $0xFFFD0000, v16;
	v1 =	vor.u32 v13, v1  }
0x1b: {  	s30 =	sshrl.u32 s6, $0x1;
	s4 =	sadd.s32 s8, s31;
	s2 =	rddreg [dreg:$0x2];
	v2 =	vor.u32 v15, v2;
	v3 =	vor.u32 v15, v3;
	v4 =	vor.u32 v15, v4  }
0x1c: {  	s3 =	simm.s32 $0x0;
	s9 =	sadd.s32 s28, s8;
	s11 =	ssub.s32 s6, s30;
	v5 =	vor.u32 v15, v5;
	v6 =	vor.u32 v15, v6;
	v7 =	vor.u32 v15, v7  }
0x1d: {  	s7 =	sshrl.u32 s7, $0x3;
	s5 =	sadd.s32 s29, s31;
	s10 =	simm.s32 $0x2;
	v8 =	vor.u32 v15, v8;
	v9 =	vor.u32 v15, v9;
	v10 =	vor.u32 v15, v10  }
0x1e: {  	s12 =	simm.s32 $0x80;
	s13 =	simm.s32 $0x100;
	[smem:$0x7FF] =	sst s3;
	v11 =	vor.u32 v15, v11;
	v12 =	vor.u32 v15, v12;
	v13 =	vor.u32 v13, v17  }
0x1f: {  	s6 =	sadd.s32 s8, s7;
	s7 =	sadd.s32 s29, s7;
	s8 =	sadd.s32 $0x800, s9;
	v1 =	vand.u32 $0xFFE30000, v1;
	v17 =	vand.u32 $0xFFFF0000, v13;
	v13 =	vor.u32 v15, v14  }
0x20: {  	s9 =	smax.u32 s11, $0x1;
	s11 =	simm.s32 $0x180;
	_ =	strace $0x80000047;
	v14 =	vor.u32 v15, v16;
	v1 =	vor.u32 v15, v1;
	v15 =	vor.u32 v15, v17  }
.LBB2_1:
0x21: {  	[tilespmem:s3], [sflag:$0x2] =	stream.linear.gather [hbm4b:s4+s3], $0x80, $0x38;
	[tilespmem:$0x280] =	vst v63  }
0x22: {  	_ =	swait.ge [sflag:s10], $0x80  }
0x23: {  	[sflag:s10] =	ssyncset.done $0x0  }
0x24: {  	[sflag:s10] =	ssyncadd.s32 $0xFFFFFF80  }
0x25: {  	[tilespmem:s11], [sflag:$0x2] =	stream.linear.gather [hbm4b:s5+s3], $0x80, $0x38;
	[tilespmem:$0x280] =	vst v63  }
0x26: {  	_ =	swait.ge [sflag:s10], $0x80  }
0x27: {  	[sflag:s10] =	ssyncset.done $0x0  }
0x28: {  	[sflag:s10] =	ssyncadd.s32 $0xFFFFFF80  }
0x29: {  	v16 =	vld [tilespmem:$0x0]  }
0x2a: {  	v17 =	vld [tilespmem:$0x10]  }
0x2b: {  	v18 =	vld [tilespmem:$0x20]  }
0x2c: {  	v20 =	vld [tilespmem:$0x30]  }
0x2d: {  	v22 =	vld [tilespmem:$0x40]  }
0x2e: {  	v24 =	vld [tilespmem:$0x50]  }
0x2f: {  	v33 =	vld [tilespmem:$0x60]  }
0x30: {  	v25 =	vld [tilespmem:$0x70]  }
0x31: {  	v19 =	vshll.u32 v16, $0x3;
	v21 =	vshll.u32 v17, $0x3;
	v16 =	vand.u32 $0x7F, v16  }
0x32: {  	v17 =	vand.u32 $0x7F, v17;
	v23 =	vshll.u32 v18, $0x3;
	v18 =	vand.u32 $0x7F, v18  }
0x33: {  	v32 =	vshll.u32 v20, $0x3;
	v35 =	vshll.u32 v22, $0x3;
	v20 =	vand.u32 $0x7F, v20  }
0x34: {  	v36 =	vand.u32 $0x7F, v22;
	v37 =	vshll.u32 v24, $0x3;
	v40 =	vand.u32 $0x7F, v24  }
0x35: {  	v41 =	vshll.u32 v33, $0x3;
	v43 =	vshll.u32 v25, $0x3;
	v19 =	vand.u32 $0xFFFFFC00, v19  }
0x36: {  	v44 =	vand.u32 $0x7F, v33;
	v21 =	vand.u32 $0xFFFFFC00, v21;
	v19 =	vadd.s32 v0, v19  }
0x37: {  	v31 =	vand.u32 $0xFFFFFC00, v23;
	v21 =	vadd.s32 v1, v21;
	v16 =	vor.u32 v16, v19  }
0x38: {  	v34 =	vand.u32 $0xFFFFFC00, v32;
	v17 =	vor.u32 v17, v21;
	v19 =	vadd.s32 v2, v31;
	[tilespmem:$0x80] =	vst v16  }
0x39: {  	v21 =	vand.u32 $0xFFFFFC00, v35;
	v18 =	vor.u32 v18, v19;
	v19 =	vadd.s32 v3, v34;
	[tilespmem:$0x90] =	vst v17  }
0x3a: {  	v38 =	vand.u32 $0xFFFFFC00, v37;
	v16 =	vadd.s32 v4, v21;
	v17 =	vor.u32 v20, v19;
	[tilespmem:$0xA0] =	vst v18  }
0x3b: {  	v42 =	vand.u32 $0xFFFFFC00, v41;
	v39 =	vadd.s32 v5, v38;
	v16 =	vor.u32 v36, v16;
	[tilespmem:$0xB0] =	vst v17  }
0x3c: {  	v19 =	vand.u32 $0xFFFFFC00, v43;
	v17 =	vor.u32 v40, v39;
	[tilespmem:$0xC0] =	vst v16;
	v16 =	vadd.s32 v6, v42  }
0x3d: {  	v45 =	vand.u32 $0x7F, v25;
	[tilespmem:$0xD0] =	vst v17;
	v16 =	vor.u32 v44, v16;
	v17 =	vadd.s32 v7, v19  }
0x3e: {  	[tilespmem:$0xE0] =	vst v16;
	v16 =	vor.u32 v45, v17  }
0x3f: {  	[tilespmem:$0xF0] =	vst v16  }
0x40: {  	[tilespmem:s13], [sflag:$0x1] =	stream.indirect.gather [hbm4b:s1+s12], $0x1, s12, s12, $0xb8;
	[tilespmem:$0x280] =	vst v63  }
0x41: {  	_ =	swait.ge [sflag:s14], $0x80  }
0x42: {  	[sflag:s14] =	ssyncset.done $0x0  }
0x43: {  	[sflag:s14] =	ssyncadd.s32 $0xFFFFFF80  }
0x44: {  	v16 =	vld [tilespmem:$0x100]  }
0x45: {  	v17 =	vld [tilespmem:$0x180]  }
0x46: {  	v46 =	vld [tilespmem:$0x110]  }
0x47: {  	v47 =	vld [tilespmem:$0x190]  }
0x48: {  	v48 =	vld [tilespmem:$0x120]  }
0x49: {  	v49 =	vld [tilespmem:$0x1A0]  }
0x4a: {  	v50 =	vld [tilespmem:$0x130]  }
0x4b: {  	v51 =	vld [tilespmem:$0x1B0]  }
0x4c: {  	v52 =	vld [tilespmem:$0x140]  }
0x4d: {  	v53 =	vld [tilespmem:$0x1C0]  }
0x4e: {  	v26 =	vld [tilespmem:$0x150]  }
0x4f: {  	v27 =	vld [tilespmem:$0x1D0]  }
0x50: {  	v28 =	vld [tilespmem:$0x160]  }
0x51: {  	v29 =	vld [tilespmem:$0x1E0]  }
0x52: {  	v30 =	vld [tilespmem:$0x170]  }
0x53: {  	v31 =	vld [tilespmem:$0x1F0];
	[tilespmem:s3], [sflag:$0x2] =	stream.linear.gather [hbm4b:s6+s3], $0x80, $0x38  }
0x54: {  	_ =	swait.ge [sflag:s10], $0x80  }
0x55: {  	[sflag:s10] =	ssyncset.done $0x0  }
0x56: {  	[sflag:s10] =	ssyncadd.s32 $0xFFFFFF80  }
0x57: {  	[tilespmem:s11], [sflag:$0x2] =	stream.linear.gather [hbm4b:s7+s3], $0x80, $0x38;
	[tilespmem:$0x280] =	vst v63  }
0x58: {  	_ =	swait.ge [sflag:s10], $0x80  }
0x59: {  	[sflag:s10] =	ssyncset.done $0x0  }
0x5a: {  	[sflag:s10] =	ssyncadd.s32 $0xFFFFFF80  }
0x5b: {  	v32 =	vld [tilespmem:$0x0]  }
0x5c: {  	v33 =	vld [tilespmem:$0x10]  }
0x5d: {  	v34 =	vld [tilespmem:$0x20]  }
0x5e: {  	v36 =	vld [tilespmem:$0x30]  }
0x5f: {  	v37 =	vld [tilespmem:$0x40]  }
0x60: {  	v16 =	vmul.f32 v17, v16;
	v58 =	vld [tilespmem:$0x50]  }
0x61: {  	v38 =	vld [tilespmem:$0x60]  }
0x62: {  	v18 =	vmul.f32 v47, v46;
	v16 =	vadd.f32 $0.0e+00, v16;
	v40 =	vld [tilespmem:$0x70]  }
0x63: {  	v35 =	vshll.u32 v32, $0x3;
	v32 =	vand.u32 $0x7F, v32;
	v54 =	vshll.u32 v33, $0x3  }
0x64: {  	v56 =	vand.u32 $0x7F, v33;
	v57 =	vshll.u32 v34, $0x3;
	v60 =	vshll.u32 v36, $0x3  }
0x65: {  	v34 =	vand.u32 $0x7F, v34;
	v36 =	vand.u32 $0x7F, v36;
	v39 =	vshll.u32 v37, $0x3  }
0x66: {  	v62 =	vand.u32 $0x7F, v37;
	v63 =	vshll.u32 v58, $0x3;
	v41 =	vshll.u32 v38, $0x3  }
0x67: {  	v43 =	vshll.u32 v40, $0x3;
	v44 =	vand.u32 $0x7F, v38;
	v17 =	vand.u32 $0xFFFFFC00, v35  }
0x68: {  	v55 =	vand.u32 $0xFFFFFC00, v54;
	v59 =	vand.u32 $0xFFFFFC00, v57;
	v17 =	vadd.s32 v8, v17  }
0x69: {  	v33 =	vand.u32 $0xFFFFFC00, v60;
	v19 =	vadd.s32 v9, v55;
	v17 =	vor.u32 v32, v17  }
0x6a: {  	v61 =	vand.u32 $0xFFFFFC00, v39;
	v33 =	vadd.s32 v11, v33;
	v19 =	vor.u32 v56, v19;
	[tilespmem:$0x80] =	vst v17  }
0x6b: {  	v37 =	vand.u32 $0xFFFFFC00, v63;
	v32 =	vadd.s32 v10, v59;
	v33 =	vor.u32 v36, v33;
	[tilespmem:$0x90] =	vst v19  }
0x6c: {  	v39 =	vand.u32 $0x7F, v58;
	v32 =	vor.u32 v34, v32;
	v17 =	vadd.s32 v12, v61;
	[tilespmem:$0xB0] =	vst v33  }
0x6d: {  	v42 =	vand.u32 $0xFFFFFC00, v41;
	v19 =	vadd.s32 v13, v37;
	v17 =	vor.u32 v62, v17;
	[tilespmem:$0xA0] =	vst v32  }
0x6e: {  	v33 =	vand.u32 $0xFFFFFC00, v43;
	v19 =	vor.u32 v39, v19;
	[tilespmem:$0xC0] =	vst v17;
	v17 =	vadd.s32 v14, v42  }
0x6f: {  	v46 =	vand.u32 $0x7F, v40;
	v45 =	vadd.s32 v15, v33;
	[tilespmem:$0xD0] =	vst v19;
	v17 =	vor.u32 v44, v17  }
0x70: {  	v47 =	vmul.f32 v49, v48;
	v16 =	vadd.f32 v18, v16;
	[tilespmem:$0xE0] =	vst v17;
	v17 =	vor.u32 v46, v45  }
0x71: {  	[tilespmem:$0xF0] =	vst v17  }
0x72: {  	v16 =	vadd.f32 v47, v16;
	v17 =	vmul.f32 v51, v50;
	[tilespmem:s13], [sflag:$0x1] =	stream.indirect.gather [hbm4b:s1+s12], $0x1, s12, s12, $0xb8;
	[tilespmem:$0x280] =	vst v63  }
0x73: {  	_ =	swait.ge [sflag:s14], $0x80  }
0x74: {  	v16 =	vadd.f32 v17, v16;
	v17 =	vmul.f32 v53, v52;
	[sflag:s14] =	ssyncset.done $0x0  }
0x75: {  	[sflag:s14] =	ssyncadd.s32 $0xFFFFFF80  }
0x76: {  	v16 =	vadd.f32 v17, v16;
	v17 =	vmul.f32 v27, v26;
	v48 =	vld [tilespmem:$0x100]  }
0x77: {  	v49 =	vld [tilespmem:$0x180]  }
0x78: {  	v50 =	vld [tilespmem:$0x110];
	v16 =	vadd.f32 v17, v16;
	v17 =	vmul.f32 v29, v28  }
0x79: {  	v51 =	vld [tilespmem:$0x190]  }
0x7a: {  	v52 =	vld [tilespmem:$0x120];
	v16 =	vadd.f32 v17, v16;
	v17 =	vmul.f32 v31, v30  }
0x7b: {  	v53 =	vld [tilespmem:$0x1A0]  }
0x7c: {  	v54 =	vld [tilespmem:$0x130];
	v16 =	vadd.f32 v17, v16;
	v17 =	vmul.f32 v49, v48  }
0x7d: {  	v55 =	vld [tilespmem:$0x1B0]  }
0x7e: {  	v56 =	vld [tilespmem:$0x140];
	v16 =	vadd.f32 v17, v16;
	v17 =	vmul.f32 v51, v50  }
0x7f: {  	v57 =	vld [tilespmem:$0x1C0]  }
0x80: {  	v58 =	vld [tilespmem:$0x150];
	v16 =	vadd.f32 v17, v16;
	v17 =	vmul.f32 v53, v52  }
0x81: {  	v59 =	vld [tilespmem:$0x1D0]  }
0x82: {  	v60 =	vld [tilespmem:$0x160];
	v16 =	vadd.f32 v17, v16;
	v17 =	vmul.f32 v55, v54  }
0x83: {  	v61 =	vld [tilespmem:$0x1E0]  }
0x84: {  	v62 =	vld [tilespmem:$0x170];
	v16 =	vadd.f32 v17, v16;
	v17 =	vmul.f32 v57, v56  }
0x85: {  	v63 =	vld [tilespmem:$0x1F0]  }
0x86: {  	v16 =	vadd.f32 v17, v16;
	v17 =	vmul.f32 v59, v58;
	_ =	sdelay $0x1  }
0x87: {  	v16 =	vadd.f32 v17, v16;
	v17 =	vmul.f32 v61, v60;
	_ =	sdelay $0x1  }
0x88: {  	v16 =	vadd.f32 v17, v16;
	v17 =	vmul.f32 v63, v62;
	_ =	sdelay $0x1  }
0x89: {  	v16 =	vadd.f32 v17, v16  }
0x8a: {  	p0 =	sne.s32 s9, $0x1  }
.Ltmp0:
0x8b: {  	[tilespmem:$0x200] =	vst v16;
	(pc) =	sbr.rel @p0 .LBB2_1-.Ltmp0, $4  }
0x8c: {  	[hbm4b:s8+s3] =	stream.linear.scatter [tilespmem:s15], [sflag:$0x2], $0x80, $0x38;
	[tilespmem:$0x280] =	vst v63  }
0x8d: {  	_ =	swait.ge [sflag:s10], $0x80  }
0x8e: {  	[sflag:s10] =	ssyncset.done $0x0  }
0x8f: {  	s9 =	sadd.s32 $0xFFFFFFFF, s9;
	[sflag:s10] =	ssyncadd.s32 $0xFFFFFF80  }
0x90: {  	_ =	sfence.sel $0x180000  }
0x91: {  	[bflag:$0x0] =	sbarrier.arrive $0xFFFF  }
0x92: {  	p0 =	sne.s32 s0, $0x0;
	_ =	strace $0x90000047  }
0x93: {  	s0 =	sadd.s32 @!p0 $0x100000, s2;
	[bflag:$0x2] =	sbarrier.arrive $0xFFFF  }
0x94: {  	[sflag:s0] =	ssyncadd.tile.s32 @!p0 $0x1;
	_ =	shalt  }
.Lfunc_end2:
_tile_overlayer_lowered:
.L_overlay_start_2:
0x95: {  	(tag) =	ssettag $0x2  }
0x96: {  	s0 =	rddreg [dreg:$0x0];
	s2 =	stileid.u32  }
0x97: {  	s1 =	rddreg [dreg:$0x1];
	p0 =	sne.s32 s2, $0x0  }
0x98: {  	s3 =	rddreg [dreg:$0x2];
	[bflag:$0x3] =	sbarrier.arrive $0xFFFF;
	s2 =	simm.s32 @!p0 $0x1C02  }
0x99: {  	[timem:s3], [sflag:s2] =	dma.local @!p0 [hbm:s0], s1  }
0x9a: {  	s0 =	simm.s32 @!p0 $0x2  }
0x9b: {  	_ =	swait.ge @!p0 [sflag:s0], s1  }
0x9c: {  	s1 =	ssub.s32 @!p0 $0x0, s1;
	[sflag:s0] =	ssyncset.done @!p0 $0x0  }
0x9d: {  	[sflag:s0] =	ssyncadd.s32 @!p0 s1  }
0x9e: {  	[bflag:$0x3] =	sbarrier.arrive $0xFFFF  }
0x9f: {  	_ =	shalt  }

</sc_bundles>
